<compile_context>
chip_gen: v7x
topology: tpu7x:2x2x1
jax: 0.10.2.dev20260603
libtpu: 0.0.44.dev20260713+nightly
codegen_flags: <defaults>
</compile_context>

<pallas_src>
import functools

import jax
import jax.numpy as jnp
from jax import lax
from jax.experimental import pallas as pl
from jax.experimental.pallas import tpu as pltpu
from jax.experimental.pallas import tpu_sc as plsc

N, E, D = 10000, 320000, 128

_NC, _NS = 2, 16
_NW = _NC * _NS
_CH = 120
_G = 3
_NG = 28
_KJ = _G * _NG
_EPAD = _NW * _KJ * _CH
_NPAD = 10112
_RPT = _NPAD // _NS


def _sc_segment_sum(sd_hbm, x_hbm, zeros_hbm, out_hbm,
                    ib, rows, acc, gsem0, gsem1, gsem2, isem):
    cid = lax.axis_index("c")
    sid = lax.axis_index("s")
    w = cid * _NS + sid
    gsems = (gsem0, gsem1, gsem2)
    pltpu.sync_copy(zeros_hbm, acc.at[pl.ds(sid * _RPT, _RPT)])
    plsc.subcore_barrier()

    pltpu.sync_copy(sd_hbm.at[w].at[0], ib.at[0])
    for i in range(_G):
        pltpu.async_copy(x_hbm.at[ib.at[0, i, 0]], rows.at[i], gsems[i])
    pltpu.async_copy(sd_hbm.at[w].at[1], ib.at[1], isem)

    def body(g, carry):
        cur = lax.rem(g, 2)
        nxt = lax.rem(g + 1, 2)

        @pl.when(g + 1 < _NG)
        def _():
            pltpu.make_async_copy(sd_hbm.at[w].at[g + 1], ib.at[nxt],
                                  isem).wait()

        for i in range(_G):
            pltpu.make_async_copy(x_hbm.at[ib.at[cur, i, 0]],
                                  rows.at[i], gsems[i]).wait()
            pltpu.sync_copy(rows.at[i], acc.at[ib.at[cur, i, 1]], add=True)

            @pl.when(g + 1 < _NG)
            def _():
                pltpu.async_copy(x_hbm.at[ib.at[nxt, i, 0]], rows.at[i],
                                 gsems[i])

        @pl.when(g + 2 < _NG)
        def _():
            pltpu.async_copy(sd_hbm.at[w].at[g + 2], ib.at[cur], isem)

        return carry

    lax.fori_loop(0, _NG, body, 0)
    plsc.subcore_barrier()
    pltpu.sync_copy(acc.at[pl.ds(sid * _RPT, _RPT)],
                    out_hbm.at[cid].at[pl.ds(sid * _RPT, _RPT)])


_sc_seg = functools.partial(
    pl.kernel,
    out_type=jax.ShapeDtypeStruct((_NC, _NPAD, D), jnp.float32),
    mesh=plsc.VectorSubcoreMesh(core_axis_name="c", subcore_axis_name="s"),
    scratch_types=[
        pltpu.VMEM((2, _G, 2, _CH), jnp.int32),
        pltpu.VMEM((_G, _CH, D), jnp.float32),
        pltpu.VMEM_SHARED((_NPAD, D), jnp.float32),
        pltpu.SemaphoreType.DMA,
        pltpu.SemaphoreType.DMA,
        pltpu.SemaphoreType.DMA,
        pltpu.SemaphoreType.DMA,
    ],
)(_sc_segment_sum)


def _tc_dense(x_ref, p_ref, w1_ref, b1_ref, w2_ref, b2_ref, eps_ref,
              gamma_ref, beta_ref, o_ref):
    x = x_ref[...]
    h = (1.0 + eps_ref[0, 0]) * x + p_ref[0, :N, :] + p_ref[1, :N, :]
    h = lax.dot_general(h, w1_ref[...], (((1,), (1,)), ((), ())),
                        preferred_element_type=jnp.float32) + b1_ref[...]
    h = jnp.maximum(h, 0.0)
    h = lax.dot_general(h, w2_ref[...], (((1,), (1,)), ((), ())),
                        preferred_element_type=jnp.float32) + b2_ref[...]
    mean = jnp.mean(h, axis=0, keepdims=True)
    var = jnp.mean((h - mean) ** 2, axis=0, keepdims=True)
    o_ref[...] = (h - mean) * lax.rsqrt(var + 1e-5) * gamma_ref[...] \
        + beta_ref[...] + x


def kernel(x, edge_index, W1, b1, W2, b2, eps, gamma, beta):
    src = edge_index[0]
    dst = edge_index[1]
    pad = _EPAD - E
    x_pad = jnp.concatenate([x, jnp.zeros((8, D), x.dtype)], axis=0)
    src_p = jnp.concatenate(
        [src, jnp.full((pad,), N, jnp.int32)]
    ).reshape(_KJ, _NW, _CH).transpose(1, 0, 2)
    pad_dst = N + jnp.arange(pad, dtype=jnp.int32) % (_NPAD - N)
    dst_p = jnp.concatenate(
        [dst, pad_dst]).reshape(_KJ, _NW, _CH).transpose(1, 0, 2)
    sd = jnp.stack([src_p, dst_p], axis=2).reshape(_NW, _NG, _G, 2, _CH)
    zeros = jnp.zeros((_RPT, D), jnp.float32)

    partials = _sc_seg(sd, x_pad, zeros)

    out = pl.pallas_call(
        _tc_dense,
        out_shape=jax.ShapeDtypeStruct((N, D), jnp.float32),
    )(x, partials, W1, b1.reshape(1, D), W2, b2.reshape(1, D),
      eps.reshape(1, 1), gamma.reshape(1, D), beta.reshape(1, D))
    return out

# --- scband reference (transcript-rebuilt; emitter-appended) ---
"""Pipeline reference for scband-res-ginlayer-26242250178930 (READ-ONLY COPY).

The authoritative reference and input builder live on the scoring server;
editing this copy changes nothing except your own understanding.
"""

import jax, jax.numpy as jnp
import numpy as np

N, E, D = 10000, 320000, 128

def setup_inputs(seed: int = 0) -> dict:
    key = jax.random.key(seed)
    ks = jax.random.split(key, 8)
    x = jax.random.normal(ks[0], (N, D), dtype=jnp.float32)
    edge_index = jax.random.randint(ks[1], (2, E), 0, N, dtype=jnp.int32)
    s = 1.0 / np.sqrt(D)
    W1 = jax.random.normal(ks[2], (D, D), dtype=jnp.float32) * s
    b1 = jnp.zeros((D,), dtype=jnp.float32)
    W2 = jax.random.normal(ks[3], (D, D), dtype=jnp.float32) * s
    b2 = jnp.zeros((D,), dtype=jnp.float32)
    eps = jnp.zeros((), dtype=jnp.float32)
    gamma = jnp.ones((D,), dtype=jnp.float32)
    beta = jnp.zeros((D,), dtype=jnp.float32)
    return {"x": x, "edge_index": edge_index, "W1": W1, "b1": b1, "W2": W2, "b2": b2, "eps": eps, "gamma": gamma, "beta": beta}

def reference(x, edge_index, W1, b1, W2, b2, eps, gamma, beta):
    src = edge_index[0]
    dst = edge_index[1]
    # GIN aggregation: sum of neighbor features scattered to destination nodes
    msgs = jnp.take(x, src, axis=0)
    agg = jax.ops.segment_sum(msgs, dst, num_segments=x.shape[0])
    h = (1.0 + eps) * x + agg
    # nn1: Linear -> ReLU -> Linear
    h = h @ W1.T + b1
    h = jax.nn.relu(h)
    h = h @ W2.T + b2
    # BatchNorm1d (training-mode batch statistics, biased variance)
    mean = jnp.mean(h, axis=0)
    var = jnp.mean((h - mean) ** 2, axis=0)
    h = (h - mean) / jnp.sqrt(var + 1e-5) * gamma + beta
    # dropout: identity (eval / deterministic reference)
    # proj is Identity since in_dim == out_dim
    return h + x

if __name__ == "__main__":
    import jax
    _d = setup_inputs()
    print(jax.jit(kernel)(*tuple(_d.values())))

</pallas_src>

<mosaic_0001>
#map = affine_map<(d0, d1) -> (0, 0, 0, 0, 0)>
#map1 = affine_map<(d0, d1) -> (0, 0)>
#map2 = affine_map<(d0, d1) -> (0, 0, 0)>
module attributes {stable_mosaic.version = 14 : i64} {
  func.func @_sc_segment_sum(%arg0: i32, %arg1: i32, %arg2: memref<32x28x3x2x120xi32, #tpu.memory_space<hbm>>, %arg3: memref<10008x128xf32, #tpu.memory_space<hbm>>, %arg4: memref<632x128xf32, #tpu.memory_space<hbm>>, %arg5: memref<2x10112x128xf32, #tpu.memory_space<hbm>>, %arg6: memref<2x3x2x120xi32, #tpu.memory_space<vmem>>, %arg7: memref<3x120x128xf32, #tpu.memory_space<vmem>>, %arg8: memref<10112x128xf32, #tpu.memory_space<vmem_shared>>, %arg9: memref<!tpu.dma_semaphore, #tpu.memory_space<semaphore_mem>>, %arg10: memref<!tpu.dma_semaphore, #tpu.memory_space<semaphore_mem>>, %arg11: memref<!tpu.dma_semaphore, #tpu.memory_space<semaphore_mem>>, %arg12: memref<!tpu.dma_semaphore, #tpu.memory_space<semaphore_mem>>) attributes {dimension_semantics = [#tpu.dimension_semantics<core_parallel>, #tpu.dimension_semantics<subcore_parallel>], iteration_bounds = array<i64: 2, 16>, scalar_prefetch = 0 : i64, scratch_operands = 7 : i64, tpu.core_type = #tpu.core_type<sc_vector_subcore>, window_params = [{transform_indices = #map}, {transform_indices = #map1}, {transform_indices = #map1}, {transform_indices = #map2}]} {
    %mul3A = arith.constant 16 : i32
    %mul3A_0 = arith.muli %arg0, %mul3A : i32
    %add3A = arith.addi %mul3A_0, %arg1 : i32
    %mul3A_1 = arith.constant 632 : i32
    %mul3A_2 = arith.muli %arg1, %mul3A_1 : i32
    "tpu.region"() ({
      %run_scoped3A_89 = tpu.sem_alloc : memref<!tpu.dma_semaphore, #tpu.memory_space<semaphore_mem>>
      %dma_start3A_90 = arith.constant 0 : i32
      %dma_start3A_91 = tpu.memref_slice %arg8[%mul3A_2, %dma_start3A_90] : memref<10112x128xf32, #tpu.memory_space<vmem_shared>> -> memref<632x128xf32, #tpu.memory_space<vmem_shared>>
      tpu.enqueue_dma source(%arg4 : memref<632x128xf32, #tpu.memory_space<hbm>>) target(%dma_start3A_91 : memref<632x128xf32, #tpu.memory_space<vmem_shared>>) target_semaphore(%run_scoped3A_89 : memref<!tpu.dma_semaphore, #tpu.memory_space<semaphore_mem>>)
      %dma_wait3A = arith.constant 0 : i32
      %dma_wait3A_92 = tpu.memref_slice %arg8[%mul3A_2, %dma_wait3A] : memref<10112x128xf32, #tpu.memory_space<vmem_shared>> -> memref<632x128xf32, #tpu.memory_space<vmem_shared>>
      tpu.wait_dma2 semaphore(%run_scoped3A_89 : memref<!tpu.dma_semaphore, #tpu.memory_space<semaphore_mem>>) src(%arg4 : memref<632x128xf32, #tpu.memory_space<hbm>>) dst(%dma_wait3A_92 : memref<632x128xf32, #tpu.memory_space<vmem_shared>>)
      tpu.yield
    }) : () -> ()
    %barrier3A = arith.constant 0 : index
    tpu.barrier barrier_id(%barrier3A)
    %run_scoped3A = arith.constant 0 : i32
    %run_scoped3A_3 = arith.constant 0 : i32
    "tpu.region"() ({
      %run_scoped3A_89 = tpu.sem_alloc : memref<!tpu.dma_semaphore, #tpu.memory_space<semaphore_mem>>
      %dma_start3A_90 = arith.constant 0 : i32
      %dma_start3A_91 = arith.constant 0 : i32
      %dma_start3A_92 = arith.constant 0 : i32
      %dma_start3A_93 = tpu.memref_slice %arg6[%run_scoped3A_3, %dma_start3A_90, %dma_start3A_91, %dma_start3A_92] : memref<2x3x2x120xi32, #tpu.memory_space<vmem>> -> memref<1x3x2x120xi32, #tpu.memory_space<vmem>>
      %dma_start3A_94 = tpu.memref_squeeze %dma_start3A_93 : memref<1x3x2x120xi32, #tpu.memory_space<vmem>> -> memref<3x2x120xi32, #tpu.memory_space<vmem>>
      %dma_start3A_95 = arith.constant 0 : i32
      %dma_start3A_96 = arith.constant 0 : i32
      %dma_start3A_97 = arith.constant 0 : i32
      %dma_start3A_98 = arith.constant 0 : i32
      %dma_start3A_99 = tpu.memref_slice %arg2[%add3A, %dma_start3A_95, %dma_start3A_96, %dma_start3A_97, %dma_start3A_98] : memref<32x28x3x2x120xi32, #tpu.memory_space<hbm>> -> memref<1x28x3x2x120xi32, #tpu.memory_space<hbm>>
      %dma_start3A_100 = tpu.memref_squeeze %dma_start3A_99 : memref<1x28x3x2x120xi32, #tpu.memory_space<hbm>> -> memref<28x3x2x120xi32, #tpu.memory_space<hbm>>
      %dma_start3A_101 = arith.constant 0 : i32
      %dma_start3A_102 = arith.constant 0 : i32
      %dma_start3A_103 = arith.constant 0 : i32
      %dma_start3A_104 = tpu.memref_slice %dma_start3A_100[%run_scoped3A, %dma_start3A_101, %dma_start3A_102, %dma_start3A_103] : memref<28x3x2x120xi32, #tpu.memory_space<hbm>> -> memref<1x3x2x120xi32, #tpu.memory_space<hbm>>
      %dma_start3A_105 = tpu.memref_squeeze %dma_start3A_104 : memref<1x3x2x120xi32, #tpu.memory_space<hbm>> -> memref<3x2x120xi32, #tpu.memory_space<hbm>>
      %dma_start3A_106 = arith.constant 0 : i32
      %dma_start3A_107 = arith.constant 0 : i32
      %dma_start3A_108 = arith.constant 0 : i32
      %dma_start3A_109 = tpu.memref_slice %arg6[%run_scoped3A_3, %dma_start3A_106, %dma_start3A_107, %dma_start3A_108] : memref<2x3x2x120xi32, #tpu.memory_space<vmem>> -> memref<1x3x2x120xi32, #tpu.memory_space<vmem>>
      %dma_start3A_110 = tpu.memref_squeeze %dma_start3A_109 : memref<1x3x2x120xi32, #tpu.memory_space<vmem>> -> memref<3x2x120xi32, #tpu.memory_space<vmem>>
      %dma_start3A_111 = arith.constant 0 : i32
      %dma_start3A_112 = arith.constant 0 : i32
      %dma_start3A_113 = arith.constant 0 : i32
      %dma_start3A_114 = arith.constant 0 : i32
      %dma_start3A_115 = tpu.memref_slice %arg2[%add3A, %dma_start3A_111, %dma_start3A_112, %dma_start3A_113, %dma_start3A_114] : memref<32x28x3x2x120xi32, #tpu.memory_space<hbm>> -> memref<1x28x3x2x120xi32, #tpu.memory_space<hbm>>
      %dma_start3A_116 = tpu.memref_squeeze %dma_start3A_115 : memref<1x28x3x2x120xi32, #tpu.memory_space<hbm>> -> memref<28x3x2x120xi32, #tpu.memory_space<hbm>>
      %dma_start3A_117 = arith.constant 0 : i32
      %dma_start3A_118 = arith.constant 0 : i32
      %dma_start3A_119 = arith.constant 0 : i32
      %dma_start3A_120 = tpu.memref_slice %dma_start3A_116[%run_scoped3A, %dma_start3A_117, %dma_start3A_118, %dma_start3A_119] : memref<28x3x2x120xi32, #tpu.memory_space<hbm>> -> memref<1x3x2x120xi32, #tpu.memory_space<hbm>>
      %dma_start3A_121 = tpu.memref_squeeze %dma_start3A_120 : memref<1x3x2x120xi32, #tpu.memory_space<hbm>> -> memref<3x2x120xi32, #tpu.memory_space<hbm>>
      tpu.enqueue_dma source(%dma_start3A_121 : memref<3x2x120xi32, #tpu.memory_space<hbm>>) target(%dma_start3A_110 : memref<3x2x120xi32, #tpu.memory_space<vmem>>) target_semaphore(%run_scoped3A_89 : memref<!tpu.dma_semaphore, #tpu.memory_space<semaphore_mem>>)
      %dma_wait3A = arith.constant 0 : i32
      %dma_wait3A_122 = arith.constant 0 : i32
      %dma_wait3A_123 = arith.constant 0 : i32
      %dma_wait3A_124 = tpu.memref_slice %arg6[%run_scoped3A_3, %dma_wait3A, %dma_wait3A_122, %dma_wait3A_123] : memref<2x3x2x120xi32, #tpu.memory_space<vmem>> -> memref<1x3x2x120xi32, #tpu.memory_space<vmem>>
      %dma_wait3A_125 = tpu.memref_squeeze %dma_wait3A_124 : memref<1x3x2x120xi32, #tpu.memory_space<vmem>> -> memref<3x2x120xi32, #tpu.memory_space<vmem>>
      %dma_wait3A_126 = arith.constant 0 : i32
      %dma_wait3A_127 = arith.constant 0 : i32
      %dma_wait3A_128 = arith.constant 0 : i32
      %dma_wait3A_129 = arith.constant 0 : i32
      %dma_wait3A_130 = tpu.memref_slice %arg2[%add3A, %dma_wait3A_126, %dma_wait3A_127, %dma_wait3A_128, %dma_wait3A_129] : memref<32x28x3x2x120xi32, #tpu.memory_space<hbm>> -> memref<1x28x3x2x120xi32, #tpu.memory_space<hbm>>
      %dma_wait3A_131 = tpu.memref_squeeze %dma_wait3A_130 : memref<1x28x3x2x120xi32, #tpu.memory_space<hbm>> -> memref<28x3x2x120xi32, #tpu.memory_space<hbm>>
      %dma_wait3A_132 = arith.constant 0 : i32
      %dma_wait3A_133 = arith.constant 0 : i32
      %dma_wait3A_134 = arith.constant 0 : i32
      %dma_wait3A_135 = tpu.memref_slice %dma_wait3A_131[%run_scoped3A, %dma_wait3A_132, %dma_wait3A_133, %dma_wait3A_134] : memref<28x3x2x120xi32, #tpu.memory_space<hbm>> -> memref<1x3x2x120xi32, #tpu.memory_space<hbm>>
      %dma_wait3A_136 = tpu.memref_squeeze %dma_wait3A_135 : memref<1x3x2x120xi32, #tpu.memory_space<hbm>> -> memref<3x2x120xi32, #tpu.memory_space<hbm>>
      %dma_wait3A_137 = arith.constant 0 : i32
      %dma_wait3A_138 = arith.constant 0 : i32
      %dma_wait3A_139 = arith.constant 0 : i32
      %dma_wait3A_140 = tpu.memref_slice %arg6[%run_scoped3A_3, %dma_wait3A_137, %dma_wait3A_138, %dma_wait3A_139] : memref<2x3x2x120xi32, #tpu.memory_space<vmem>> -> memref<1x3x2x120xi32, #tpu.memory_space<vmem>>
      %dma_wait3A_141 = tpu.memref_squeeze %dma_wait3A_140 : memref<1x3x2x120xi32, #tpu.memory_space<vmem>> -> memref<3x2x120xi32, #tpu.memory_space<vmem>>
      %dma_wait3A_142 = arith.constant 0 : i32
      %dma_wait3A_143 = arith.constant 0 : i32
      %dma_wait3A_144 = arith.constant 0 : i32
      %dma_wait3A_145 = arith.constant 0 : i32
      %dma_wait3A_146 = tpu.memref_slice %arg2[%add3A, %dma_wait3A_142, %dma_wait3A_143, %dma_wait3A_144, %dma_wait3A_145] : memref<32x28x3x2x120xi32, #tpu.memory_space<hbm>> -> memref<1x28x3x2x120xi32, #tpu.memory_space<hbm>>
      %dma_wait3A_147 = tpu.memref_squeeze %dma_wait3A_146 : memref<1x28x3x2x120xi32, #tpu.memory_space<hbm>> -> memref<28x3x2x120xi32, #tpu.memory_space<hbm>>
      %dma_wait3A_148 = arith.constant 0 : i32
      %dma_wait3A_149 = arith.constant 0 : i32
      %dma_wait3A_150 = arith.constant 0 : i32
      %dma_wait3A_151 = tpu.memref_slice %dma_wait3A_147[%run_scoped3A, %dma_wait3A_148, %dma_wait3A_149, %dma_wait3A_150] : memref<28x3x2x120xi32, #tpu.memory_space<hbm>> -> memref<1x3x2x120xi32, #tpu.memory_space<hbm>>
      %dma_wait3A_152 = tpu.memref_squeeze %dma_wait3A_151 : memref<1x3x2x120xi32, #tpu.memory_space<hbm>> -> memref<3x2x120xi32, #tpu.memory_space<hbm>>
      tpu.wait_dma2 semaphore(%run_scoped3A_89 : memref<!tpu.dma_semaphore, #tpu.memory_space<semaphore_mem>>) src(%dma_wait3A_152 : memref<3x2x120xi32, #tpu.memory_space<hbm>>) dst(%dma_wait3A_141 : memref<3x2x120xi32, #tpu.memory_space<vmem>>)
      tpu.yield
    }) : () -> ()
    %dma_start3A = arith.constant 0 : i32
    %dma_start3A_4 = arith.constant 0 : i32
    %dma_start3A_5 = arith.constant 0 : i32
    %dma_start3A_6 = arith.constant 0 : i32
    %dma_start3A_7 = arith.constant 0 : i32
    %dma_start3A_8 = arith.constant 0 : i32
    %dma_start3A_9 = tpu.memref_slice %arg7[%dma_start3A_6, %dma_start3A_7, %dma_start3A_8] : memref<3x120x128xf32, #tpu.memory_space<vmem>> -> memref<1x120x128xf32, #tpu.memory_space<vmem>>
    %dma_start3A_10 = tpu.memref_squeeze %dma_start3A_9 : memref<1x120x128xf32, #tpu.memory_space<vmem>> -> memref<120x128xf32, #tpu.memory_space<vmem>>
    %dma_start3A_11 = arith.constant 0 : i32
    %dma_start3A_12 = tpu.memref_slice %arg6[%dma_start3A, %dma_start3A_4, %dma_start3A_5, %dma_start3A_11] : memref<2x3x2x120xi32, #tpu.memory_space<vmem>> -> memref<1x1x1x120xi32, #tpu.memory_space<vmem>>
    %dma_start3A_13 = tpu.memref_squeeze %dma_start3A_12 : memref<1x1x1x120xi32, #tpu.memory_space<vmem>> -> memref<120xi32, #tpu.memory_space<vmem>>
    %dma_start3A_14 = arith.constant 0 : i32
    %dma_start3A_15 = arith.constant 0 : i32
    %dma_start3A_16 = tpu.memref_slice %arg3[%dma_start3A_14, %dma_start3A_15] : memref<10008x128xf32, #tpu.memory_space<hbm>> -> memref<10008x128xf32, #tpu.memory_space<hbm>>
    tpu.enqueue_indirect_dma source(%dma_start3A_16 : memref<10008x128xf32, #tpu.memory_space<hbm>>) target(%dma_start3A_10 : memref<120x128xf32, #tpu.memory_space<vmem>>) offsets(%dma_start3A_13 : memref<120xi32, #tpu.memory_space<vmem>>) semaphore(%arg9 : memref<!tpu.dma_semaphore, #tpu.memory_space<semaphore_mem>>)
    %dma_start3A_17 = arith.constant 0 : i32
    %dma_start3A_18 = arith.constant 1 : i32
    %dma_start3A_19 = arith.constant 0 : i32
    %dma_start3A_20 = arith.constant 1 : i32
    %dma_start3A_21 = arith.constant 0 : i32
    %dma_start3A_22 = arith.constant 0 : i32
    %dma_start3A_23 = tpu.memref_slice %arg7[%dma_start3A_20, %dma_start3A_21, %dma_start3A_22] : memref<3x120x128xf32, #tpu.memory_space<vmem>> -> memref<1x120x128xf32, #tpu.memory_space<vmem>>
    %dma_start3A_24 = tpu.memref_squeeze %dma_start3A_23 : memref<1x120x128xf32, #tpu.memory_space<vmem>> -> memref<120x128xf32, #tpu.memory_space<vmem>>
    %dma_start3A_25 = arith.constant 0 : i32
    %dma_start3A_26 = tpu.memref_slice %arg6[%dma_start3A_17, %dma_start3A_18, %dma_start3A_19, %dma_start3A_25] : memref<2x3x2x120xi32, #tpu.memory_space<vmem>> -> memref<1x1x1x120xi32, #tpu.memory_space<vmem>>
    %dma_start3A_27 = tpu.memref_squeeze %dma_start3A_26 : memref<1x1x1x120xi32, #tpu.memory_space<vmem>> -> memref<120xi32, #tpu.memory_space<vmem>>
    %dma_start3A_28 = arith.constant 0 : i32
    %dma_start3A_29 = arith.constant 0 : i32
    %dma_start3A_30 = tpu.memref_slice %arg3[%dma_start3A_28, %dma_start3A_29] : memref<10008x128xf32, #tpu.memory_space<hbm>> -> memref<10008x128xf32, #tpu.memory_space<hbm>>
    tpu.enqueue_indirect_dma source(%dma_start3A_30 : memref<10008x128xf32, #tpu.memory_space<hbm>>) target(%dma_start3A_24 : memref<120x128xf32, #tpu.memory_space<vmem>>) offsets(%dma_start3A_27 : memref<120xi32, #tpu.memory_space<vmem>>) semaphore(%arg10 : memref<!tpu.dma_semaphore, #tpu.memory_space<semaphore_mem>>)
    %dma_start3A_31 = arith.constant 0 : i32
    %dma_start3A_32 = arith.constant 2 : i32
    %dma_start3A_33 = arith.constant 0 : i32
    %dma_start3A_34 = arith.constant 2 : i32
    %dma_start3A_35 = arith.constant 0 : i32
    %dma_start3A_36 = arith.constant 0 : i32
    %dma_start3A_37 = tpu.memref_slice %arg7[%dma_start3A_34, %dma_start3A_35, %dma_start3A_36] : memref<3x120x128xf32, #tpu.memory_space<vmem>> -> memref<1x120x128xf32, #tpu.memory_space<vmem>>
    %dma_start3A_38 = tpu.memref_squeeze %dma_start3A_37 : memref<1x120x128xf32, #tpu.memory_space<vmem>> -> memref<120x128xf32, #tpu.memory_space<vmem>>
    %dma_start3A_39 = arith.constant 0 : i32
    %dma_start3A_40 = tpu.memref_slice %arg6[%dma_start3A_31, %dma_start3A_32, %dma_start3A_33, %dma_start3A_39] : memref<2x3x2x120xi32, #tpu.memory_space<vmem>> -> memref<1x1x1x120xi32, #tpu.memory_space<vmem>>
    %dma_start3A_41 = tpu.memref_squeeze %dma_start3A_40 : memref<1x1x1x120xi32, #tpu.memory_space<vmem>> -> memref<120xi32, #tpu.memory_space<vmem>>
    %dma_start3A_42 = arith.constant 0 : i32
    %dma_start3A_43 = arith.constant 0 : i32
    %dma_start3A_44 = tpu.memref_slice %arg3[%dma_start3A_42, %dma_start3A_43] : memref<10008x128xf32, #tpu.memory_space<hbm>> -> memref<10008x128xf32, #tpu.memory_space<hbm>>
    tpu.enqueue_indirect_dma source(%dma_start3A_44 : memref<10008x128xf32, #tpu.memory_space<hbm>>) target(%dma_start3A_38 : memref<120x128xf32, #tpu.memory_space<vmem>>) offsets(%dma_start3A_41 : memref<120xi32, #tpu.memory_space<vmem>>) semaphore(%arg11 : memref<!tpu.dma_semaphore, #tpu.memory_space<semaphore_mem>>)
    %dma_start3A_45 = arith.constant 1 : i32
    %dma_start3A_46 = arith.constant 1 : i32
    %dma_start3A_47 = arith.constant 0 : i32
    %dma_start3A_48 = arith.constant 0 : i32
    %dma_start3A_49 = arith.constant 0 : i32
    %dma_start3A_50 = tpu.memref_slice %arg6[%dma_start3A_46, %dma_start3A_47, %dma_start3A_48, %dma_start3A_49] : memref<2x3x2x120xi32, #tpu.memory_space<vmem>> -> memref<1x3x2x120xi32, #tpu.memory_space<vmem>>
    %dma_start3A_51 = tpu.memref_squeeze %dma_start3A_50 : memref<1x3x2x120xi32, #tpu.memory_space<vmem>> -> memref<3x2x120xi32, #tpu.memory_space<vmem>>
    %dma_start3A_52 = arith.constant 0 : i32
    %dma_start3A_53 = arith.constant 0 : i32
    %dma_start3A_54 = arith.constant 0 : i32
    %dma_start3A_55 = arith.constant 0 : i32
    %dma_start3A_56 = tpu.memref_slice %arg2[%add3A, %dma_start3A_52, %dma_start3A_53, %dma_start3A_54, %dma_start3A_55] : memref<32x28x3x2x120xi32, #tpu.memory_space<hbm>> -> memref<1x28x3x2x120xi32, #tpu.memory_space<hbm>>
    %dma_start3A_57 = tpu.memref_squeeze %dma_start3A_56 : memref<1x28x3x2x120xi32, #tpu.memory_space<hbm>> -> memref<28x3x2x120xi32, #tpu.memory_space<hbm>>
    %dma_start3A_58 = arith.constant 0 : i32
    %dma_start3A_59 = arith.constant 0 : i32
    %dma_start3A_60 = arith.constant 0 : i32
    %dma_start3A_61 = tpu.memref_slice %dma_start3A_57[%dma_start3A_45, %dma_start3A_58, %dma_start3A_59, %dma_start3A_60] : memref<28x3x2x120xi32, #tpu.memory_space<hbm>> -> memref<1x3x2x120xi32, #tpu.memory_space<hbm>>
    %dma_start3A_62 = tpu.memref_squeeze %dma_start3A_61 : memref<1x3x2x120xi32, #tpu.memory_space<hbm>> -> memref<3x2x120xi32, #tpu.memory_space<hbm>>
    %dma_start3A_63 = arith.constant 0 : i32
    %dma_start3A_64 = arith.constant 0 : i32
    %dma_start3A_65 = arith.constant 0 : i32
    %dma_start3A_66 = tpu.memref_slice %arg6[%dma_start3A_46, %dma_start3A_63, %dma_start3A_64, %dma_start3A_65] : memref<2x3x2x120xi32, #tpu.memory_space<vmem>> -> memref<1x3x2x120xi32, #tpu.memory_space<vmem>>
    %dma_start3A_67 = tpu.memref_squeeze %dma_start3A_66 : memref<1x3x2x120xi32, #tpu.memory_space<vmem>> -> memref<3x2x120xi32, #tpu.memory_space<vmem>>
    %dma_start3A_68 = arith.constant 0 : i32
    %dma_start3A_69 = arith.constant 0 : i32
    %dma_start3A_70 = arith.constant 0 : i32
    %dma_start3A_71 = arith.constant 0 : i32
    %dma_start3A_72 = tpu.memref_slice %arg2[%add3A, %dma_start3A_68, %dma_start3A_69, %dma_start3A_70, %dma_start3A_71] : memref<32x28x3x2x120xi32, #tpu.memory_space<hbm>> -> memref<1x28x3x2x120xi32, #tpu.memory_space<hbm>>
    %dma_start3A_73 = tpu.memref_squeeze %dma_start3A_72 : memref<1x28x3x2x120xi32, #tpu.memory_space<hbm>> -> memref<28x3x2x120xi32, #tpu.memory_space<hbm>>
    %dma_start3A_74 = arith.constant 0 : i32
    %dma_start3A_75 = arith.constant 0 : i32
    %dma_start3A_76 = arith.constant 0 : i32
    %dma_start3A_77 = tpu.memref_slice %dma_start3A_73[%dma_start3A_45, %dma_start3A_74, %dma_start3A_75, %dma_start3A_76] : memref<28x3x2x120xi32, #tpu.memory_space<hbm>> -> memref<1x3x2x120xi32, #tpu.memory_space<hbm>>
    %dma_start3A_78 = tpu.memref_squeeze %dma_start3A_77 : memref<1x3x2x120xi32, #tpu.memory_space<hbm>> -> memref<3x2x120xi32, #tpu.memory_space<hbm>>
    tpu.enqueue_dma source(%dma_start3A_78 : memref<3x2x120xi32, #tpu.memory_space<hbm>>) target(%dma_start3A_67 : memref<3x2x120xi32, #tpu.memory_space<vmem>>) target_semaphore(%arg12 : memref<!tpu.dma_semaphore, #tpu.memory_space<semaphore_mem>>)
    %scan3A = arith.constant 0 : i32
    %scan3A_79 = arith.constant 0 : i32
    %scan3A_80 = arith.constant 28 : i32
    %scan3A_81 = arith.addi %scan3A_79, %scan3A_80 : i32
    %scan3A_82 = arith.constant 1 : i32
    scf.for %scan3A_89 = %scan3A_79 to %scan3A_81 step %scan3A_82  : i32 {
      %rem3A = arith.constant 2 : i32
      %rem3A_90 = arith.remsi %scan3A_89, %rem3A : i32
      %add3A_91 = arith.constant 1 : i32
      %add3A_92 = arith.addi %scan3A_89, %add3A_91 : i32
      %rem3A_93 = arith.constant 2 : i32
      %rem3A_94 = arith.remsi %add3A_92, %rem3A_93 : i32
      %add3A_95 = arith.constant 1 : i32
      %add3A_96 = arith.addi %scan3A_89, %add3A_95 : i32
      %lt3A = arith.constant 28 : i32
      %lt3A_97 = arith.cmpi slt, %add3A_96, %lt3A : i32
      %convert_element_type3A = arith.extui %lt3A_97 : i1 to i32
      %cond3A = arith.constant 0 : i32
      %cond3A_98 = arith.cmpi ne, %convert_element_type3A, %cond3A : i32
      scf.if %cond3A_98 {
        %add3A_174 = arith.constant 1 : i32
        %add3A_175 = arith.addi %scan3A_89, %add3A_174 : i32
        %dma_wait3A_176 = arith.constant 0 : i32
        %dma_wait3A_177 = arith.constant 0 : i32
        %dma_wait3A_178 = arith.constant 0 : i32
        %dma_wait3A_179 = tpu.memref_slice %arg6[%rem3A_94, %dma_wait3A_176, %dma_wait3A_177, %dma_wait3A_178] : memref<2x3x2x120xi32, #tpu.memory_space<vmem>> -> memref<1x3x2x120xi32, #tpu.memory_space<vmem>>
        %dma_wait3A_180 = tpu.memref_squeeze %dma_wait3A_179 : memref<1x3x2x120xi32, #tpu.memory_space<vmem>> -> memref<3x2x120xi32, #tpu.memory_space<vmem>>
        %dma_wait3A_181 = arith.constant 0 : i32
        %dma_wait3A_182 = arith.constant 0 : i32
        %dma_wait3A_183 = arith.constant 0 : i32
        %dma_wait3A_184 = arith.constant 0 : i32
        %dma_wait3A_185 = tpu.memref_slice %arg2[%add3A, %dma_wait3A_181, %dma_wait3A_182, %dma_wait3A_183, %dma_wait3A_184] : memref<32x28x3x2x120xi32, #tpu.memory_space<hbm>> -> memref<1x28x3x2x120xi32, #tpu.memory_space<hbm>>
        %dma_wait3A_186 = tpu.memref_squeeze %dma_wait3A_185 : memref<1x28x3x2x120xi32, #tpu.memory_space<hbm>> -> memref<28x3x2x120xi32, #tpu.memory_space<hbm>>
        %dma_wait3A_187 = arith.constant 0 : i32
        %dma_wait3A_188 = arith.constant 0 : i32
        %dma_wait3A_189 = arith.constant 0 : i32
        %dma_wait3A_190 = tpu.memref_slice %dma_wait3A_186[%add3A_175, %dma_wait3A_187, %dma_wait3A_188, %dma_wait3A_189] : memref<28x3x2x120xi32, #tpu.memory_space<hbm>> -> memref<1x3x2x120xi32, #tpu.memory_space<hbm>>
        %dma_wait3A_191 = tpu.memref_squeeze %dma_wait3A_190 : memref<1x3x2x120xi32, #tpu.memory_space<hbm>> -> memref<3x2x120xi32, #tpu.memory_space<hbm>>
        %dma_wait3A_192 = arith.constant 0 : i32
        %dma_wait3A_193 = arith.constant 0 : i32
        %dma_wait3A_194 = arith.constant 0 : i32
        %dma_wait3A_195 = tpu.memref_slice %arg6[%rem3A_94, %dma_wait3A_192, %dma_wait3A_193, %dma_wait3A_194] : memref<2x3x2x120xi32, #tpu.memory_space<vmem>> -> memref<1x3x2x120xi32, #tpu.memory_space<vmem>>
        %dma_wait3A_196 = tpu.memref_squeeze %dma_wait3A_195 : memref<1x3x2x120xi32, #tpu.memory_space<vmem>> -> memref<3x2x120xi32, #tpu.memory_space<vmem>>
        %dma_wait3A_197 = arith.constant 0 : i32
        %dma_wait3A_198 = arith.constant 0 : i32
        %dma_wait3A_199 = arith.constant 0 : i32
        %dma_wait3A_200 = arith.constant 0 : i32
        %dma_wait3A_201 = tpu.memref_slice %arg2[%add3A, %dma_wait3A_197, %dma_wait3A_198, %dma_wait3A_199, %dma_wait3A_200] : memref<32x28x3x2x120xi32, #tpu.memory_space<hbm>> -> memref<1x28x3x2x120xi32, #tpu.memory_space<hbm>>
        %dma_wait3A_202 = tpu.memref_squeeze %dma_wait3A_201 : memref<1x28x3x2x120xi32, #tpu.memory_space<hbm>> -> memref<28x3x2x120xi32, #tpu.memory_space<hbm>>
        %dma_wait3A_203 = arith.constant 0 : i32
        %dma_wait3A_204 = arith.constant 0 : i32
        %dma_wait3A_205 = arith.constant 0 : i32
        %dma_wait3A_206 = tpu.memref_slice %dma_wait3A_202[%add3A_175, %dma_wait3A_203, %dma_wait3A_204, %dma_wait3A_205] : memref<28x3x2x120xi32, #tpu.memory_space<hbm>> -> memref<1x3x2x120xi32, #tpu.memory_space<hbm>>
        %dma_wait3A_207 = tpu.memref_squeeze %dma_wait3A_206 : memref<1x3x2x120xi32, #tpu.memory_space<hbm>> -> memref<3x2x120xi32, #tpu.memory_space<hbm>>
        tpu.wait_dma2 semaphore(%arg12 : memref<!tpu.dma_semaphore, #tpu.memory_space<semaphore_mem>>) src(%dma_wait3A_207 : memref<3x2x120xi32, #tpu.memory_space<hbm>>) dst(%dma_wait3A_196 : memref<3x2x120xi32, #tpu.memory_space<vmem>>)
      } else {
      }
      %dma_wait3A = arith.constant 0 : i32
      %dma_wait3A_99 = arith.constant 0 : i32
      %dma_wait3A_100 = arith.constant 0 : i32
      %dma_wait3A_101 = arith.constant 0 : i32
      %dma_wait3A_102 = arith.constant 0 : i32
      %dma_wait3A_103 = tpu.memref_slice %arg7[%dma_wait3A_100, %dma_wait3A_101, %dma_wait3A_102] : memref<3x120x128xf32, #tpu.memory_space<vmem>> -> memref<1x120x128xf32, #tpu.memory_space<vmem>>
      %dma_wait3A_104 = tpu.memref_squeeze %dma_wait3A_103 : memref<1x120x128xf32, #tpu.memory_space<vmem>> -> memref<120x128xf32, #tpu.memory_space<vmem>>
      %dma_wait3A_105 = arith.constant 0 : i32
      %dma_wait3A_106 = tpu.memref_slice %arg6[%rem3A_90, %dma_wait3A, %dma_wait3A_99, %dma_wait3A_105] : memref<2x3x2x120xi32, #tpu.memory_space<vmem>> -> memref<1x1x1x120xi32, #tpu.memory_space<vmem>>
      %dma_wait3A_107 = tpu.memref_squeeze %dma_wait3A_106 : memref<1x1x1x120xi32, #tpu.memory_space<vmem>> -> memref<120xi32, #tpu.memory_space<vmem>>
      %dma_wait3A_108 = arith.constant 0 : i32
      %dma_wait3A_109 = arith.constant 0 : i32
      %dma_wait3A_110 = tpu.memref_slice %arg3[%dma_wait3A_108, %dma_wait3A_109] : memref<10008x128xf32, #tpu.memory_space<hbm>> -> memref<10008x128xf32, #tpu.memory_space<hbm>>
      tpu.wait_indirect_dma semaphore(%arg9 : memref<!tpu.dma_semaphore, #tpu.memory_space<semaphore_mem>>) src(%dma_wait3A_110 : memref<10008x128xf32, #tpu.memory_space<hbm>>) dst(%dma_wait3A_104 : memref<120x128xf32, #tpu.memory_space<vmem>>)
      %run_scoped3A_111 = arith.constant 0 : i32
      %run_scoped3A_112 = arith.constant 0 : i32
      %run_scoped3A_113 = arith.constant 1 : i32
      "tpu.region"() ({
        %run_scoped3A_174 = tpu.sem_alloc : memref<!tpu.dma_semaphore, #tpu.memory_space<semaphore_mem>>
        %dma_start3A_175 = arith.constant 0 : i32
        %dma_start3A_176 = arith.constant 0 : i32
        %dma_start3A_177 = tpu.memref_slice %arg7[%run_scoped3A_111, %dma_start3A_175, %dma_start3A_176] : memref<3x120x128xf32, #tpu.memory_space<vmem>> -> memref<1x120x128xf32, #tpu.memory_space<vmem>>
        %dma_start3A_178 = tpu.memref_squeeze %dma_start3A_177 : memref<1x120x128xf32, #tpu.memory_space<vmem>> -> memref<120x128xf32, #tpu.memory_space<vmem>>
        %dma_start3A_179 = arith.constant 0 : i32
        %dma_start3A_180 = tpu.memref_slice %arg6[%rem3A_90, %run_scoped3A_112, %run_scoped3A_113, %dma_start3A_179] : memref<2x3x2x120xi32, #tpu.memory_space<vmem>> -> memref<1x1x1x120xi32, #tpu.memory_space<vmem>>
        %dma_start3A_181 = tpu.memref_squeeze %dma_start3A_180 : memref<1x1x1x120xi32, #tpu.memory_space<vmem>> -> memref<120xi32, #tpu.memory_space<vmem>>
        %dma_start3A_182 = arith.constant 0 : i32
        %dma_start3A_183 = arith.constant 0 : i32
        %dma_start3A_184 = tpu.memref_slice %arg8[%dma_start3A_182, %dma_start3A_183] : memref<10112x128xf32, #tpu.memory_space<vmem_shared>> -> memref<10112x128xf32, #tpu.memory_space<vmem_shared>>
        tpu.enqueue_indirect_dma source(%dma_start3A_178 : memref<120x128xf32, #tpu.memory_space<vmem>>) target(%dma_start3A_184 : memref<10112x128xf32, #tpu.memory_space<vmem_shared>>) offsets(%dma_start3A_181 : memref<120xi32, #tpu.memory_space<vmem>>) semaphore(%run_scoped3A_174 : memref<!tpu.dma_semaphore, #tpu.memory_space<semaphore_mem>>) {add = true}
        %dma_wait3A_185 = arith.constant 0 : i32
        %dma_wait3A_186 = arith.constant 0 : i32
        %dma_wait3A_187 = tpu.memref_slice %arg7[%run_scoped3A_111, %dma_wait3A_185, %dma_wait3A_186] : memref<3x120x128xf32, #tpu.memory_space<vmem>> -> memref<1x120x128xf32, #tpu.memory_space<vmem>>
        %dma_wait3A_188 = tpu.memref_squeeze %dma_wait3A_187 : memref<1x120x128xf32, #tpu.memory_space<vmem>> -> memref<120x128xf32, #tpu.memory_space<vmem>>
        %dma_wait3A_189 = arith.constant 0 : i32
        %dma_wait3A_190 = tpu.memref_slice %arg6[%rem3A_90, %run_scoped3A_112, %run_scoped3A_113, %dma_wait3A_189] : memref<2x3x2x120xi32, #tpu.memory_space<vmem>> -> memref<1x1x1x120xi32, #tpu.memory_space<vmem>>
        %dma_wait3A_191 = tpu.memref_squeeze %dma_wait3A_190 : memref<1x1x1x120xi32, #tpu.memory_space<vmem>> -> memref<120xi32, #tpu.memory_space<vmem>>
        %dma_wait3A_192 = arith.constant 0 : i32
        %dma_wait3A_193 = arith.constant 0 : i32
        %dma_wait3A_194 = tpu.memref_slice %arg8[%dma_wait3A_192, %dma_wait3A_193] : memref<10112x128xf32, #tpu.memory_space<vmem_shared>> -> memref<10112x128xf32, #tpu.memory_space<vmem_shared>>
        tpu.wait_indirect_dma semaphore(%run_scoped3A_174 : memref<!tpu.dma_semaphore, #tpu.memory_space<semaphore_mem>>) src(%dma_wait3A_188 : memref<120x128xf32, #tpu.memory_space<vmem>>) dst(%dma_wait3A_194 : memref<10112x128xf32, #tpu.memory_space<vmem_shared>>)
        tpu.yield
      }) : () -> ()
      %add3A_114 = arith.constant 1 : i32
      %add3A_115 = arith.addi %scan3A_89, %add3A_114 : i32
      %lt3A_116 = arith.constant 28 : i32
      %lt3A_117 = arith.cmpi slt, %add3A_115, %lt3A_116 : i32
      %convert_element_type3A_118 = arith.extui %lt3A_117 : i1 to i32
      %cond3A_119 = arith.constant 0 : i32
      %cond3A_120 = arith.cmpi ne, %convert_element_type3A_118, %cond3A_119 : i32
      scf.if %cond3A_120 {
        %dma_start3A_174 = arith.constant 0 : i32
        %dma_start3A_175 = arith.constant 0 : i32
        %dma_start3A_176 = arith.constant 0 : i32
        %dma_start3A_177 = arith.constant 0 : i32
        %dma_start3A_178 = arith.constant 0 : i32
        %dma_start3A_179 = tpu.memref_slice %arg7[%dma_start3A_176, %dma_start3A_177, %dma_start3A_178] : memref<3x120x128xf32, #tpu.memory_space<vmem>> -> memref<1x120x128xf32, #tpu.memory_space<vmem>>
        %dma_start3A_180 = tpu.memref_squeeze %dma_start3A_179 : memref<1x120x128xf32, #tpu.memory_space<vmem>> -> memref<120x128xf32, #tpu.memory_space<vmem>>
        %dma_start3A_181 = arith.constant 0 : i32
        %dma_start3A_182 = tpu.memref_slice %arg6[%rem3A_94, %dma_start3A_174, %dma_start3A_175, %dma_start3A_181] : memref<2x3x2x120xi32, #tpu.memory_space<vmem>> -> memref<1x1x1x120xi32, #tpu.memory_space<vmem>>
        %dma_start3A_183 = tpu.memref_squeeze %dma_start3A_182 : memref<1x1x1x120xi32, #tpu.memory_space<vmem>> -> memref<120xi32, #tpu.memory_space<vmem>>
        %dma_start3A_184 = arith.constant 0 : i32
        %dma_start3A_185 = arith.constant 0 : i32
        %dma_start3A_186 = tpu.memref_slice %arg3[%dma_start3A_184, %dma_start3A_185] : memref<10008x128xf32, #tpu.memory_space<hbm>> -> memref<10008x128xf32, #tpu.memory_space<hbm>>
        tpu.enqueue_indirect_dma source(%dma_start3A_186 : memref<10008x128xf32, #tpu.memory_space<hbm>>) target(%dma_start3A_180 : memref<120x128xf32, #tpu.memory_space<vmem>>) offsets(%dma_start3A_183 : memref<120xi32, #tpu.memory_space<vmem>>) semaphore(%arg9 : memref<!tpu.dma_semaphore, #tpu.memory_space<semaphore_mem>>)
      } else {
      }
      %dma_wait3A_121 = arith.constant 1 : i32
      %dma_wait3A_122 = arith.constant 0 : i32
      %dma_wait3A_123 = arith.constant 1 : i32
      %dma_wait3A_124 = arith.constant 0 : i32
      %dma_wait3A_125 = arith.constant 0 : i32
      %dma_wait3A_126 = tpu.memref_slice %arg7[%dma_wait3A_123, %dma_wait3A_124, %dma_wait3A_125] : memref<3x120x128xf32, #tpu.memory_space<vmem>> -> memref<1x120x128xf32, #tpu.memory_space<vmem>>
      %dma_wait3A_127 = tpu.memref_squeeze %dma_wait3A_126 : memref<1x120x128xf32, #tpu.memory_space<vmem>> -> memref<120x128xf32, #tpu.memory_space<vmem>>
      %dma_wait3A_128 = arith.constant 0 : i32
      %dma_wait3A_129 = tpu.memref_slice %arg6[%rem3A_90, %dma_wait3A_121, %dma_wait3A_122, %dma_wait3A_128] : memref<2x3x2x120xi32, #tpu.memory_space<vmem>> -> memref<1x1x1x120xi32, #tpu.memory_space<vmem>>
      %dma_wait3A_130 = tpu.memref_squeeze %dma_wait3A_129 : memref<1x1x1x120xi32, #tpu.memory_space<vmem>> -> memref<120xi32, #tpu.memory_space<vmem>>
      %dma_wait3A_131 = arith.constant 0 : i32
      %dma_wait3A_132 = arith.constant 0 : i32
      %dma_wait3A_133 = tpu.memref_slice %arg3[%dma_wait3A_131, %dma_wait3A_132] : memref<10008x128xf32, #tpu.memory_space<hbm>> -> memref<10008x128xf32, #tpu.memory_space<hbm>>
      tpu.wait_indirect_dma semaphore(%arg10 : memref<!tpu.dma_semaphore, #tpu.memory_space<semaphore_mem>>) src(%dma_wait3A_133 : memref<10008x128xf32, #tpu.memory_space<hbm>>) dst(%dma_wait3A_127 : memref<120x128xf32, #tpu.memory_space<vmem>>)
      %run_scoped3A_134 = arith.constant 1 : i32
      %run_scoped3A_135 = arith.constant 1 : i32
      %run_scoped3A_136 = arith.constant 1 : i32
      "tpu.region"() ({
        %run_scoped3A_174 = tpu.sem_alloc : memref<!tpu.dma_semaphore, #tpu.memory_space<semaphore_mem>>
        %dma_start3A_175 = arith.constant 0 : i32
        %dma_start3A_176 = arith.constant 0 : i32
        %dma_start3A_177 = tpu.memref_slice %arg7[%run_scoped3A_134, %dma_start3A_175, %dma_start3A_176] : memref<3x120x128xf32, #tpu.memory_space<vmem>> -> memref<1x120x128xf32, #tpu.memory_space<vmem>>
        %dma_start3A_178 = tpu.memref_squeeze %dma_start3A_177 : memref<1x120x128xf32, #tpu.memory_space<vmem>> -> memref<120x128xf32, #tpu.memory_space<vmem>>
        %dma_start3A_179 = arith.constant 0 : i32
        %dma_start3A_180 = tpu.memref_slice %arg6[%rem3A_90, %run_scoped3A_135, %run_scoped3A_136, %dma_start3A_179] : memref<2x3x2x120xi32, #tpu.memory_space<vmem>> -> memref<1x1x1x120xi32, #tpu.memory_space<vmem>>
        %dma_start3A_181 = tpu.memref_squeeze %dma_start3A_180 : memref<1x1x1x120xi32, #tpu.memory_space<vmem>> -> memref<120xi32, #tpu.memory_space<vmem>>
        %dma_start3A_182 = arith.constant 0 : i32
        %dma_start3A_183 = arith.constant 0 : i32
        %dma_start3A_184 = tpu.memref_slice %arg8[%dma_start3A_182, %dma_start3A_183] : memref<10112x128xf32, #tpu.memory_space<vmem_shared>> -> memref<10112x128xf32, #tpu.memory_space<vmem_shared>>
        tpu.enqueue_indirect_dma source(%dma_start3A_178 : memref<120x128xf32, #tpu.memory_space<vmem>>) target(%dma_start3A_184 : memref<10112x128xf32, #tpu.memory_space<vmem_shared>>) offsets(%dma_start3A_181 : memref<120xi32, #tpu.memory_space<vmem>>) semaphore(%run_scoped3A_174 : memref<!tpu.dma_semaphore, #tpu.memory_space<semaphore_mem>>) {add = true}
        %dma_wait3A_185 = arith.constant 0 : i32
        %dma_wait3A_186 = arith.constant 0 : i32
        %dma_wait3A_187 = tpu.memref_slice %arg7[%run_scoped3A_134, %dma_wait3A_185, %dma_wait3A_186] : memref<3x120x128xf32, #tpu.memory_space<vmem>> -> memref<1x120x128xf32, #tpu.memory_space<vmem>>
        %dma_wait3A_188 = tpu.memref_squeeze %dma_wait3A_187 : memref<1x120x128xf32, #tpu.memory_space<vmem>> -> memref<120x128xf32, #tpu.memory_space<vmem>>
        %dma_wait3A_189 = arith.constant 0 : i32
        %dma_wait3A_190 = tpu.memref_slice %arg6[%rem3A_90, %run_scoped3A_135, %run_scoped3A_136, %dma_wait3A_189] : memref<2x3x2x120xi32, #tpu.memory_space<vmem>> -> memref<1x1x1x120xi32, #tpu.memory_space<vmem>>
        %dma_wait3A_191 = tpu.memref_squeeze %dma_wait3A_190 : memref<1x1x1x120xi32, #tpu.memory_space<vmem>> -> memref<120xi32, #tpu.memory_space<vmem>>
        %dma_wait3A_192 = arith.constant 0 : i32
        %dma_wait3A_193 = arith.constant 0 : i32
        %dma_wait3A_194 = tpu.memref_slice %arg8[%dma_wait3A_192, %dma_wait3A_193] : memref<10112x128xf32, #tpu.memory_space<vmem_shared>> -> memref<10112x128xf32, #tpu.memory_space<vmem_shared>>
        tpu.wait_indirect_dma semaphore(%run_scoped3A_174 : memref<!tpu.dma_semaphore, #tpu.memory_space<semaphore_mem>>) src(%dma_wait3A_188 : memref<120x128xf32, #tpu.memory_space<vmem>>) dst(%dma_wait3A_194 : memref<10112x128xf32, #tpu.memory_space<vmem_shared>>)
        tpu.yield
      }) : () -> ()
      %add3A_137 = arith.constant 1 : i32
      %add3A_138 = arith.addi %scan3A_89, %add3A_137 : i32
      %lt3A_139 = arith.constant 28 : i32
      %lt3A_140 = arith.cmpi slt, %add3A_138, %lt3A_139 : i32
      %convert_element_type3A_141 = arith.extui %lt3A_140 : i1 to i32
      %cond3A_142 = arith.constant 0 : i32
      %cond3A_143 = arith.cmpi ne, %convert_element_type3A_141, %cond3A_142 : i32
      scf.if %cond3A_143 {
        %dma_start3A_174 = arith.constant 1 : i32
        %dma_start3A_175 = arith.constant 0 : i32
        %dma_start3A_176 = arith.constant 1 : i32
        %dma_start3A_177 = arith.constant 0 : i32
        %dma_start3A_178 = arith.constant 0 : i32
        %dma_start3A_179 = tpu.memref_slice %arg7[%dma_start3A_176, %dma_start3A_177, %dma_start3A_178] : memref<3x120x128xf32, #tpu.memory_space<vmem>> -> memref<1x120x128xf32, #tpu.memory_space<vmem>>
        %dma_start3A_180 = tpu.memref_squeeze %dma_start3A_179 : memref<1x120x128xf32, #tpu.memory_space<vmem>> -> memref<120x128xf32, #tpu.memory_space<vmem>>
        %dma_start3A_181 = arith.constant 0 : i32
        %dma_start3A_182 = tpu.memref_slice %arg6[%rem3A_94, %dma_start3A_174, %dma_start3A_175, %dma_start3A_181] : memref<2x3x2x120xi32, #tpu.memory_space<vmem>> -> memref<1x1x1x120xi32, #tpu.memory_space<vmem>>
        %dma_start3A_183 = tpu.memref_squeeze %dma_start3A_182 : memref<1x1x1x120xi32, #tpu.memory_space<vmem>> -> memref<120xi32, #tpu.memory_space<vmem>>
        %dma_start3A_184 = arith.constant 0 : i32
        %dma_start3A_185 = arith.constant 0 : i32
        %dma_start3A_186 = tpu.memref_slice %arg3[%dma_start3A_184, %dma_start3A_185] : memref<10008x128xf32, #tpu.memory_space<hbm>> -> memref<10008x128xf32, #tpu.memory_space<hbm>>
        tpu.enqueue_indirect_dma source(%dma_start3A_186 : memref<10008x128xf32, #tpu.memory_space<hbm>>) target(%dma_start3A_180 : memref<120x128xf32, #tpu.memory_space<vmem>>) offsets(%dma_start3A_183 : memref<120xi32, #tpu.memory_space<vmem>>) semaphore(%arg10 : memref<!tpu.dma_semaphore, #tpu.memory_space<semaphore_mem>>)
      } else {
      }
      %dma_wait3A_144 = arith.constant 2 : i32
      %dma_wait3A_145 = arith.constant 0 : i32
      %dma_wait3A_146 = arith.constant 2 : i32
      %dma_wait3A_147 = arith.constant 0 : i32
      %dma_wait3A_148 = arith.constant 0 : i32
      %dma_wait3A_149 = tpu.memref_slice %arg7[%dma_wait3A_146, %dma_wait3A_147, %dma_wait3A_148] : memref<3x120x128xf32, #tpu.memory_space<vmem>> -> memref<1x120x128xf32, #tpu.memory_space<vmem>>
      %dma_wait3A_150 = tpu.memref_squeeze %dma_wait3A_149 : memref<1x120x128xf32, #tpu.memory_space<vmem>> -> memref<120x128xf32, #tpu.memory_space<vmem>>
      %dma_wait3A_151 = arith.constant 0 : i32
      %dma_wait3A_152 = tpu.memref_slice %arg6[%rem3A_90, %dma_wait3A_144, %dma_wait3A_145, %dma_wait3A_151] : memref<2x3x2x120xi32, #tpu.memory_space<vmem>> -> memref<1x1x1x120xi32, #tpu.memory_space<vmem>>
      %dma_wait3A_153 = tpu.memref_squeeze %dma_wait3A_152 : memref<1x1x1x120xi32, #tpu.memory_space<vmem>> -> memref<120xi32, #tpu.memory_space<vmem>>
      %dma_wait3A_154 = arith.constant 0 : i32
      %dma_wait3A_155 = arith.constant 0 : i32
      %dma_wait3A_156 = tpu.memref_slice %arg3[%dma_wait3A_154, %dma_wait3A_155] : memref<10008x128xf32, #tpu.memory_space<hbm>> -> memref<10008x128xf32, #tpu.memory_space<hbm>>
      tpu.wait_indirect_dma semaphore(%arg11 : memref<!tpu.dma_semaphore, #tpu.memory_space<semaphore_mem>>) src(%dma_wait3A_156 : memref<10008x128xf32, #tpu.memory_space<hbm>>) dst(%dma_wait3A_150 : memref<120x128xf32, #tpu.memory_space<vmem>>)
      %run_scoped3A_157 = arith.constant 2 : i32
      %run_scoped3A_158 = arith.constant 2 : i32
      %run_scoped3A_159 = arith.constant 1 : i32
      "tpu.region"() ({
        %run_scoped3A_174 = tpu.sem_alloc : memref<!tpu.dma_semaphore, #tpu.memory_space<semaphore_mem>>
        %dma_start3A_175 = arith.constant 0 : i32
        %dma_start3A_176 = arith.constant 0 : i32
        %dma_start3A_177 = tpu.memref_slice %arg7[%run_scoped3A_157, %dma_start3A_175, %dma_start3A_176] : memref<3x120x128xf32, #tpu.memory_space<vmem>> -> memref<1x120x128xf32, #tpu.memory_space<vmem>>
        %dma_start3A_178 = tpu.memref_squeeze %dma_start3A_177 : memref<1x120x128xf32, #tpu.memory_space<vmem>> -> memref<120x128xf32, #tpu.memory_space<vmem>>
        %dma_start3A_179 = arith.constant 0 : i32
        %dma_start3A_180 = tpu.memref_slice %arg6[%rem3A_90, %run_scoped3A_158, %run_scoped3A_159, %dma_start3A_179] : memref<2x3x2x120xi32, #tpu.memory_space<vmem>> -> memref<1x1x1x120xi32, #tpu.memory_space<vmem>>
        %dma_start3A_181 = tpu.memref_squeeze %dma_start3A_180 : memref<1x1x1x120xi32, #tpu.memory_space<vmem>> -> memref<120xi32, #tpu.memory_space<vmem>>
        %dma_start3A_182 = arith.constant 0 : i32
        %dma_start3A_183 = arith.constant 0 : i32
        %dma_start3A_184 = tpu.memref_slice %arg8[%dma_start3A_182, %dma_start3A_183] : memref<10112x128xf32, #tpu.memory_space<vmem_shared>> -> memref<10112x128xf32, #tpu.memory_space<vmem_shared>>
        tpu.enqueue_indirect_dma source(%dma_start3A_178 : memref<120x128xf32, #tpu.memory_space<vmem>>) target(%dma_start3A_184 : memref<10112x128xf32, #tpu.memory_space<vmem_shared>>) offsets(%dma_start3A_181 : memref<120xi32, #tpu.memory_space<vmem>>) semaphore(%run_scoped3A_174 : memref<!tpu.dma_semaphore, #tpu.memory_space<semaphore_mem>>) {add = true}
        %dma_wait3A_185 = arith.constant 0 : i32
        %dma_wait3A_186 = arith.constant 0 : i32
        %dma_wait3A_187 = tpu.memref_slice %arg7[%run_scoped3A_157, %dma_wait3A_185, %dma_wait3A_186] : memref<3x120x128xf32, #tpu.memory_space<vmem>> -> memref<1x120x128xf32, #tpu.memory_space<vmem>>
        %dma_wait3A_188 = tpu.memref_squeeze %dma_wait3A_187 : memref<1x120x128xf32, #tpu.memory_space<vmem>> -> memref<120x128xf32, #tpu.memory_space<vmem>>
        %dma_wait3A_189 = arith.constant 0 : i32
        %dma_wait3A_190 = tpu.memref_slice %arg6[%rem3A_90, %run_scoped3A_158, %run_scoped3A_159, %dma_wait3A_189] : memref<2x3x2x120xi32, #tpu.memory_space<vmem>> -> memref<1x1x1x120xi32, #tpu.memory_space<vmem>>
        %dma_wait3A_191 = tpu.memref_squeeze %dma_wait3A_190 : memref<1x1x1x120xi32, #tpu.memory_space<vmem>> -> memref<120xi32, #tpu.memory_space<vmem>>
        %dma_wait3A_192 = arith.constant 0 : i32
        %dma_wait3A_193 = arith.constant 0 : i32
        %dma_wait3A_194 = tpu.memref_slice %arg8[%dma_wait3A_192, %dma_wait3A_193] : memref<10112x128xf32, #tpu.memory_space<vmem_shared>> -> memref<10112x128xf32, #tpu.memory_space<vmem_shared>>
        tpu.wait_indirect_dma semaphore(%run_scoped3A_174 : memref<!tpu.dma_semaphore, #tpu.memory_space<semaphore_mem>>) src(%dma_wait3A_188 : memref<120x128xf32, #tpu.memory_space<vmem>>) dst(%dma_wait3A_194 : memref<10112x128xf32, #tpu.memory_space<vmem_shared>>)
        tpu.yield
      }) : () -> ()
      %add3A_160 = arith.constant 1 : i32
      %add3A_161 = arith.addi %scan3A_89, %add3A_160 : i32
      %lt3A_162 = arith.constant 28 : i32
      %lt3A_163 = arith.cmpi slt, %add3A_161, %lt3A_162 : i32
      %convert_element_type3A_164 = arith.extui %lt3A_163 : i1 to i32
      %cond3A_165 = arith.constant 0 : i32
      %cond3A_166 = arith.cmpi ne, %convert_element_type3A_164, %cond3A_165 : i32
      scf.if %cond3A_166 {
        %dma_start3A_174 = arith.constant 2 : i32
        %dma_start3A_175 = arith.constant 0 : i32
        %dma_start3A_176 = arith.constant 2 : i32
        %dma_start3A_177 = arith.constant 0 : i32
        %dma_start3A_178 = arith.constant 0 : i32
        %dma_start3A_179 = tpu.memref_slice %arg7[%dma_start3A_176, %dma_start3A_177, %dma_start3A_178] : memref<3x120x128xf32, #tpu.memory_space<vmem>> -> memref<1x120x128xf32, #tpu.memory_space<vmem>>
        %dma_start3A_180 = tpu.memref_squeeze %dma_start3A_179 : memref<1x120x128xf32, #tpu.memory_space<vmem>> -> memref<120x128xf32, #tpu.memory_space<vmem>>
        %dma_start3A_181 = arith.constant 0 : i32
        %dma_start3A_182 = tpu.memref_slice %arg6[%rem3A_94, %dma_start3A_174, %dma_start3A_175, %dma_start3A_181] : memref<2x3x2x120xi32, #tpu.memory_space<vmem>> -> memref<1x1x1x120xi32, #tpu.memory_space<vmem>>
        %dma_start3A_183 = tpu.memref_squeeze %dma_start3A_182 : memref<1x1x1x120xi32, #tpu.memory_space<vmem>> -> memref<120xi32, #tpu.memory_space<vmem>>
        %dma_start3A_184 = arith.constant 0 : i32
        %dma_start3A_185 = arith.constant 0 : i32
        %dma_start3A_186 = tpu.memref_slice %arg3[%dma_start3A_184, %dma_start3A_185] : memref<10008x128xf32, #tpu.memory_space<hbm>> -> memref<10008x128xf32, #tpu.memory_space<hbm>>
        tpu.enqueue_indirect_dma source(%dma_start3A_186 : memref<10008x128xf32, #tpu.memory_space<hbm>>) target(%dma_start3A_180 : memref<120x128xf32, #tpu.memory_space<vmem>>) offsets(%dma_start3A_183 : memref<120xi32, #tpu.memory_space<vmem>>) semaphore(%arg11 : memref<!tpu.dma_semaphore, #tpu.memory_space<semaphore_mem>>)
      } else {
      }
      %add3A_167 = arith.constant 2 : i32
      %add3A_168 = arith.addi %scan3A_89, %add3A_167 : i32
      %lt3A_169 = arith.constant 28 : i32
      %lt3A_170 = arith.cmpi slt, %add3A_168, %lt3A_169 : i32
      %convert_element_type3A_171 = arith.extui %lt3A_170 : i1 to i32
      %cond3A_172 = arith.constant 0 : i32
      %cond3A_173 = arith.cmpi ne, %convert_element_type3A_171, %cond3A_172 : i32
      scf.if %cond3A_173 {
        %add3A_174 = arith.constant 2 : i32
        %add3A_175 = arith.addi %scan3A_89, %add3A_174 : i32
        %dma_start3A_176 = arith.constant 0 : i32
        %dma_start3A_177 = arith.constant 0 : i32
        %dma_start3A_178 = arith.constant 0 : i32
        %dma_start3A_179 = tpu.memref_slice %arg6[%rem3A_90, %dma_start3A_176, %dma_start3A_177, %dma_start3A_178] : memref<2x3x2x120xi32, #tpu.memory_space<vmem>> -> memref<1x3x2x120xi32, #tpu.memory_space<vmem>>
        %dma_start3A_180 = tpu.memref_squeeze %dma_start3A_179 : memref<1x3x2x120xi32, #tpu.memory_space<vmem>> -> memref<3x2x120xi32, #tpu.memory_space<vmem>>
        %dma_start3A_181 = arith.constant 0 : i32
        %dma_start3A_182 = arith.constant 0 : i32
        %dma_start3A_183 = arith.constant 0 : i32
        %dma_start3A_184 = arith.constant 0 : i32
        %dma_start3A_185 = tpu.memref_slice %arg2[%add3A, %dma_start3A_181, %dma_start3A_182, %dma_start3A_183, %dma_start3A_184] : memref<32x28x3x2x120xi32, #tpu.memory_space<hbm>> -> memref<1x28x3x2x120xi32, #tpu.memory_space<hbm>>
        %dma_start3A_186 = tpu.memref_squeeze %dma_start3A_185 : memref<1x28x3x2x120xi32, #tpu.memory_space<hbm>> -> memref<28x3x2x120xi32, #tpu.memory_space<hbm>>
        %dma_start3A_187 = arith.constant 0 : i32
        %dma_start3A_188 = arith.constant 0 : i32
        %dma_start3A_189 = arith.constant 0 : i32
        %dma_start3A_190 = tpu.memref_slice %dma_start3A_186[%add3A_175, %dma_start3A_187, %dma_start3A_188, %dma_start3A_189] : memref<28x3x2x120xi32, #tpu.memory_space<hbm>> -> memref<1x3x2x120xi32, #tpu.memory_space<hbm>>
        %dma_start3A_191 = tpu.memref_squeeze %dma_start3A_190 : memref<1x3x2x120xi32, #tpu.memory_space<hbm>> -> memref<3x2x120xi32, #tpu.memory_space<hbm>>
        %dma_start3A_192 = arith.constant 0 : i32
        %dma_start3A_193 = arith.constant 0 : i32
        %dma_start3A_194 = arith.constant 0 : i32
        %dma_start3A_195 = tpu.memref_slice %arg6[%rem3A_90, %dma_start3A_192, %dma_start3A_193, %dma_start3A_194] : memref<2x3x2x120xi32, #tpu.memory_space<vmem>> -> memref<1x3x2x120xi32, #tpu.memory_space<vmem>>
        %dma_start3A_196 = tpu.memref_squeeze %dma_start3A_195 : memref<1x3x2x120xi32, #tpu.memory_space<vmem>> -> memref<3x2x120xi32, #tpu.memory_space<vmem>>
        %dma_start3A_197 = arith.constant 0 : i32
        %dma_start3A_198 = arith.constant 0 : i32
        %dma_start3A_199 = arith.constant 0 : i32
        %dma_start3A_200 = arith.constant 0 : i32
        %dma_start3A_201 = tpu.memref_slice %arg2[%add3A, %dma_start3A_197, %dma_start3A_198, %dma_start3A_199, %dma_start3A_200] : memref<32x28x3x2x120xi32, #tpu.memory_space<hbm>> -> memref<1x28x3x2x120xi32, #tpu.memory_space<hbm>>
        %dma_start3A_202 = tpu.memref_squeeze %dma_start3A_201 : memref<1x28x3x2x120xi32, #tpu.memory_space<hbm>> -> memref<28x3x2x120xi32, #tpu.memory_space<hbm>>
        %dma_start3A_203 = arith.constant 0 : i32
        %dma_start3A_204 = arith.constant 0 : i32
        %dma_start3A_205 = arith.constant 0 : i32
        %dma_start3A_206 = tpu.memref_slice %dma_start3A_202[%add3A_175, %dma_start3A_203, %dma_start3A_204, %dma_start3A_205] : memref<28x3x2x120xi32, #tpu.memory_space<hbm>> -> memref<1x3x2x120xi32, #tpu.memory_space<hbm>>
        %dma_start3A_207 = tpu.memref_squeeze %dma_start3A_206 : memref<1x3x2x120xi32, #tpu.memory_space<hbm>> -> memref<3x2x120xi32, #tpu.memory_space<hbm>>
        tpu.enqueue_dma source(%dma_start3A_207 : memref<3x2x120xi32, #tpu.memory_space<hbm>>) target(%dma_start3A_196 : memref<3x2x120xi32, #tpu.memory_space<vmem>>) target_semaphore(%arg12 : memref<!tpu.dma_semaphore, #tpu.memory_space<semaphore_mem>>)
      } else {
      }
    }
    %scan3A_83 = arith.constant 28 : i32
    %barrier3A_84 = arith.constant 0 : index
    tpu.barrier barrier_id(%barrier3A_84)
    %mul3A_85 = arith.constant 632 : i32
    %mul3A_86 = arith.muli %arg1, %mul3A_85 : i32
    %mul3A_87 = arith.constant 632 : i32
    %mul3A_88 = arith.muli %arg1, %mul3A_87 : i32
    "tpu.region"() ({
      %run_scoped3A_89 = tpu.sem_alloc : memref<!tpu.dma_semaphore, #tpu.memory_space<semaphore_mem>>
      %dma_start3A_90 = arith.constant 0 : i32
      %dma_start3A_91 = arith.constant 0 : i32
      %dma_start3A_92 = tpu.memref_slice %arg5[%arg0, %dma_start3A_90, %dma_start3A_91] : memref<2x10112x128xf32, #tpu.memory_space<hbm>> -> memref<1x10112x128xf32, #tpu.memory_space<hbm>>
      %dma_start3A_93 = tpu.memref_squeeze %dma_start3A_92 : memref<1x10112x128xf32, #tpu.memory_space<hbm>> -> memref<10112x128xf32, #tpu.memory_space<hbm>>
      %dma_start3A_94 = arith.constant 0 : i32
      %dma_start3A_95 = tpu.memref_slice %dma_start3A_93[%mul3A_88, %dma_start3A_94] : memref<10112x128xf32, #tpu.memory_space<hbm>> -> memref<632x128xf32, #tpu.memory_space<hbm>>
      %dma_start3A_96 = arith.constant 0 : i32
      %dma_start3A_97 = tpu.memref_slice %arg8[%mul3A_86, %dma_start3A_96] : memref<10112x128xf32, #tpu.memory_space<vmem_shared>> -> memref<632x128xf32, #tpu.memory_space<vmem_shared>>
      tpu.enqueue_dma source(%dma_start3A_97 : memref<632x128xf32, #tpu.memory_space<vmem_shared>>) target(%dma_start3A_95 : memref<632x128xf32, #tpu.memory_space<hbm>>) target_semaphore(%run_scoped3A_89 : memref<!tpu.dma_semaphore, #tpu.memory_space<semaphore_mem>>)
      %dma_wait3A = arith.constant 0 : i32
      %dma_wait3A_98 = arith.constant 0 : i32
      %dma_wait3A_99 = tpu.memref_slice %arg5[%arg0, %dma_wait3A, %dma_wait3A_98] : memref<2x10112x128xf32, #tpu.memory_space<hbm>> -> memref<1x10112x128xf32, #tpu.memory_space<hbm>>
      %dma_wait3A_100 = tpu.memref_squeeze %dma_wait3A_99 : memref<1x10112x128xf32, #tpu.memory_space<hbm>> -> memref<10112x128xf32, #tpu.memory_space<hbm>>
      %dma_wait3A_101 = arith.constant 0 : i32
      %dma_wait3A_102 = tpu.memref_slice %dma_wait3A_100[%mul3A_88, %dma_wait3A_101] : memref<10112x128xf32, #tpu.memory_space<hbm>> -> memref<632x128xf32, #tpu.memory_space<hbm>>
      %dma_wait3A_103 = arith.constant 0 : i32
      %dma_wait3A_104 = tpu.memref_slice %arg8[%mul3A_86, %dma_wait3A_103] : memref<10112x128xf32, #tpu.memory_space<vmem_shared>> -> memref<632x128xf32, #tpu.memory_space<vmem_shared>>
      tpu.wait_dma2 semaphore(%run_scoped3A_89 : memref<!tpu.dma_semaphore, #tpu.memory_space<semaphore_mem>>) src(%dma_wait3A_104 : memref<632x128xf32, #tpu.memory_space<vmem_shared>>) dst(%dma_wait3A_102 : memref<632x128xf32, #tpu.memory_space<hbm>>)
      tpu.yield
    }) : () -> ()
    return
  }
}

module attributes {stable_mosaic.version = 14 : i64} {
  func.func @_tc_dense(%arg0: memref<10000x128xf32, #tpu.memory_space<vmem>>, %arg1: memref<2x10112x128xf32, #tpu.memory_space<vmem>>, %arg2: memref<128x128xf32, #tpu.memory_space<vmem>>, %arg3: memref<1x128xf32, #tpu.memory_space<vmem>>, %arg4: memref<128x128xf32, #tpu.memory_space<vmem>>, %arg5: memref<1x128xf32, #tpu.memory_space<vmem>>, %arg6: memref<1x1xf32, #tpu.memory_space<vmem>>, %arg7: memref<1x128xf32, #tpu.memory_space<vmem>>, %arg8: memref<1x128xf32, #tpu.memory_space<vmem>>, %arg9: memref<10000x128xf32, #tpu.memory_space<vmem>>) attributes {dimension_semantics = [], scalar_prefetch = 0 : i64, scratch_operands = 0 : i64, tpu.core_type = #tpu.core_type<tc>} {
    %get3A = arith.constant 0 : index
    %get3A_0 = arith.constant 0 : index
    %get3A_1 = vector.load %arg0[%get3A, %get3A_0] : memref<10000x128xf32, #tpu.memory_space<vmem>>, vector<10000x128xf32>
    %get3A_2 = arith.constant 0 : index
    %get3A_3 = arith.constant 0 : index
    %get3A_4 = vector.load %arg6[%get3A_2, %get3A_3] : memref<1x1xf32, #tpu.memory_space<vmem>>, vector<1x1xf32>
    %get3A_5 = vector.extract %get3A_4[0, 0] : f32 from vector<1x1xf32>
    %add3A = arith.constant 1.000000e+00 : f32
    %add3A_6 = arith.addf %add3A, %get3A_5 : f32
    %mul3A = vector.broadcast %add3A_6 : f32 to vector<10000x128xf32>
    %mul3A_7 = arith.mulf %mul3A, %get3A_1 : vector<10000x128xf32>
    %get3A_8 = arith.constant 0 : index
    %get3A_9 = arith.constant 0 : index
    %get3A_10 = arith.constant 0 : index
    %get3A_11 = vector.load %arg1[%get3A_8, %get3A_9, %get3A_10] : memref<2x10112x128xf32, #tpu.memory_space<vmem>>, vector<1x10000x128xf32>
    %get3A_12 = vector.shape_cast %get3A_11 : vector<1x10000x128xf32> to vector<10000x128xf32>
    %add3A_13 = arith.addf %mul3A_7, %get3A_12 : vector<10000x128xf32>
    %get3A_14 = arith.constant 1 : index
    %get3A_15 = arith.constant 0 : index
    %get3A_16 = arith.constant 0 : index
    %get3A_17 = vector.load %arg1[%get3A_14, %get3A_15, %get3A_16] : memref<2x10112x128xf32, #tpu.memory_space<vmem>>, vector<1x10000x128xf32>
    %get3A_18 = vector.shape_cast %get3A_17 : vector<1x10000x128xf32> to vector<10000x128xf32>
    %add3A_19 = arith.addf %add3A_13, %get3A_18 : vector<10000x128xf32>
    %get3A_20 = arith.constant 0 : index
    %get3A_21 = arith.constant 0 : index
    %get3A_22 = vector.load %arg2[%get3A_20, %get3A_21] : memref<128x128xf32, #tpu.memory_space<vmem>>, vector<128x128xf32>
    %dot_general3A = arith.constant dense<0.000000e+00> : vector<10000x128xf32>
    %dot_general3A_23 = tpu.matmul %add3A_19, %get3A_22, %dot_general3A {dimension_numbers = #tpu.dot_dimension_numbers<[1], [1], [0], [0], [0, 0, 1, 0], [], []>, transpose_lhs_hint = false} : vector<10000x128xf32>, vector<128x128xf32>, vector<10000x128xf32> -> vector<10000x128xf32>
    %get3A_24 = arith.constant 0 : index
    %get3A_25 = arith.constant 0 : index
    %get3A_26 = vector.load %arg3[%get3A_24, %get3A_25] : memref<1x128xf32, #tpu.memory_space<vmem>>, vector<1x128xf32>
    %add3A_27 = vector.broadcast %get3A_26 : vector<1x128xf32> to vector<10000x128xf32>
    %add3A_28 = arith.addf %dot_general3A_23, %add3A_27 : vector<10000x128xf32>
    %max3A = arith.constant 0.000000e+00 : f32
    %max3A_29 = vector.broadcast %max3A : f32 to vector<10000x128xf32>
    %max3A_30 = arith.maximumf %add3A_28, %max3A_29 : vector<10000x128xf32>
    %get3A_31 = arith.constant 0 : index
    %get3A_32 = arith.constant 0 : index
    %get3A_33 = vector.load %arg4[%get3A_31, %get3A_32] : memref<128x128xf32, #tpu.memory_space<vmem>>, vector<128x128xf32>
    %dot_general3A_34 = arith.constant dense<0.000000e+00> : vector<10000x128xf32>
    %dot_general3A_35 = tpu.matmul %max3A_30, %get3A_33, %dot_general3A_34 {dimension_numbers = #tpu.dot_dimension_numbers<[1], [1], [0], [0], [0, 0, 1, 0], [], []>, transpose_lhs_hint = false} : vector<10000x128xf32>, vector<128x128xf32>, vector<10000x128xf32> -> vector<10000x128xf32>
    %get3A_36 = arith.constant 0 : index
    %get3A_37 = arith.constant 0 : index
    %get3A_38 = vector.load %arg5[%get3A_36, %get3A_37] : memref<1x128xf32, #tpu.memory_space<vmem>>, vector<1x128xf32>
    %add3A_39 = vector.broadcast %get3A_38 : vector<1x128xf32> to vector<10000x128xf32>
    %add3A_40 = arith.addf %dot_general3A_35, %add3A_39 : vector<10000x128xf32>
    %reduce_sum3A = arith.constant dense<0.000000e+00> : vector<128xf32>
    %reduce_sum3A_41 = vector.multi_reduction <add>, %add3A_40, %reduce_sum3A [0] : vector<10000x128xf32> to vector<128xf32>
    %broadcast_in_dim3A = vector.shape_cast %reduce_sum3A_41 : vector<128xf32> to vector<1x128xf32>
    %div3A = arith.constant 1.000000e+04 : f32
    %div3A_42 = vector.broadcast %div3A : f32 to vector<1x128xf32>
    %div3A_43 = arith.divf %broadcast_in_dim3A, %div3A_42 : vector<1x128xf32>
    %sub3A = vector.broadcast %div3A_43 : vector<1x128xf32> to vector<10000x128xf32>
    %sub3A_44 = arith.subf %add3A_40, %sub3A : vector<10000x128xf32>
    %integer_pow3A = arith.mulf %sub3A_44, %sub3A_44 : vector<10000x128xf32>
    %reduce_sum3A_45 = arith.constant dense<0.000000e+00> : vector<128xf32>
    %reduce_sum3A_46 = vector.multi_reduction <add>, %integer_pow3A, %reduce_sum3A_45 [0] : vector<10000x128xf32> to vector<128xf32>
    %broadcast_in_dim3A_47 = vector.shape_cast %reduce_sum3A_46 : vector<128xf32> to vector<1x128xf32>
    %div3A_48 = arith.constant 1.000000e+04 : f32
    %div3A_49 = vector.broadcast %div3A_48 : f32 to vector<1x128xf32>
    %div3A_50 = arith.divf %broadcast_in_dim3A_47, %div3A_49 : vector<1x128xf32>
    %sub3A_51 = vector.broadcast %div3A_43 : vector<1x128xf32> to vector<10000x128xf32>
    %sub3A_52 = arith.subf %add3A_40, %sub3A_51 : vector<10000x128xf32>
    %add3A_53 = arith.constant 9.99999974E-6 : f32
    %add3A_54 = vector.broadcast %add3A_53 : f32 to vector<1x128xf32>
    %add3A_55 = arith.addf %div3A_50, %add3A_54 : vector<1x128xf32>
    %rsqrt3A = math.rsqrt %add3A_55 : vector<1x128xf32>
    %mul3A_56 = vector.broadcast %rsqrt3A : vector<1x128xf32> to vector<10000x128xf32>
    %mul3A_57 = arith.mulf %sub3A_52, %mul3A_56 : vector<10000x128xf32>
    %get3A_58 = arith.constant 0 : index
    %get3A_59 = arith.constant 0 : index
    %get3A_60 = vector.load %arg7[%get3A_58, %get3A_59] : memref<1x128xf32, #tpu.memory_space<vmem>>, vector<1x128xf32>
    %mul3A_61 = vector.broadcast %get3A_60 : vector<1x128xf32> to vector<10000x128xf32>
    %mul3A_62 = arith.mulf %mul3A_57, %mul3A_61 : vector<10000x128xf32>
    %get3A_63 = arith.constant 0 : index
    %get3A_64 = arith.constant 0 : index
    %get3A_65 = vector.load %arg8[%get3A_63, %get3A_64] : memref<1x128xf32, #tpu.memory_space<vmem>>, vector<1x128xf32>
    %add3A_66 = vector.broadcast %get3A_65 : vector<1x128xf32> to vector<10000x128xf32>
    %add3A_67 = arith.addf %mul3A_62, %add3A_66 : vector<10000x128xf32>
    %add3A_68 = arith.addf %add3A_67, %get3A_1 : vector<10000x128xf32>
    %swap3A = arith.constant 0 : index
    %swap3A_69 = arith.constant 0 : index
    %swap3A_70 = vector.load %arg9[%swap3A, %swap3A_69] : memref<10000x128xf32, #tpu.memory_space<vmem>>, vector<10000x128xf32>
    tpu.vector_store %arg9[%swap3A, %swap3A_69], %add3A_68 {strides = array<i32>} : memref<10000x128xf32, #tpu.memory_space<vmem>>, vector<10000x128xf32>,
    return
  }
}

</mosaic_0001>

<sc_bundles>
// kernel: kernel.4.cloned.1.call-start
scs
__scs_entry_jumppad:
0x0: {  	(pc) =	sbr.rel $0x88, $3  }
0x1: {  	(tag) =	ssettag $0x0;
	lr =	simm.s32 $0x1  }
0x2: {  	[smem:$0x3F98] =	sst lr;
	_ =	strace $0xD0000000  }
0x3: {  	_ = 	snop  }
0x4: {  	_ = 	snop  }
0x5: {  	_ = 	snop  }
0x6: {  	_ = 	snop  }
0x7: {  	_ = 	snop  }
__scs_overlays_trampoline_lowered:
0x8: {  	[smem:$0x3FA7] =	sst s0  }
0x9: {  	[smem:$0x3FA8] =	sst s1  }
0xa: {  	[smem:$0x3FA9] =	sst s2  }
0xb: {  	[smem:$0x3FAA] =	sst s3  }
0xc: {  	[smem:$0x3FAB] =	sst s4  }
0xd: {  	[smem:$0x3FAC] =	sst s5  }
0xe: {  	[smem:$0x3FAD] =	sst s6  }
0xf: {  	[smem:$0x3FAE] =	sst s7  }
0x10: {  	[smem:$0x3FAF] =	sst s8  }
0x11: {  	[smem:$0x3FB0] =	sst s9;
	s0 =	simm.s32 @!p0 $0x0  }
0x12: {  	s1 =	sld [smem:$0x3F96];
	s0 =	simm.s32 @p0 $0x1  }
0x13: {  	[smem:$0x3FB1] =	sst s0;
	s0 =	simm.s32 @!p1 $0x0  }
0x14: {  	s2 =	sld [smem:$0x3F95];
	s0 =	simm.s32 @p1 $0x1  }
0x15: {  	[smem:$0x3FB2] =	sst s0;
	s0 =	simm.s32 @!p2 $0x0  }
0x16: {  	s3 =	sld [smem:$0x3FDB];
	s0 =	simm.s32 @p2 $0x1  }
0x17: {  	s4 =	simm.s32 $0x1BF5;
	[smem:$0x3FB4] =	sst s0  }
0x18: {  	s0 =	sld [smem:$0x3F97];
	_ =	swait.ge [sflag:s4], $0x0  }
0x19: {  	s7 =	sld [smem:$0x3F98]  }
0x1a: {  	s8 =	sadd.s32 $0xFFFFE003, lr  }
0x1b: {  	s9 =	sadd.s32 $0xFFFFFEF7, lr;
	s5 =	simm.s32 $0xFFFFFFFF;
	p2 =	slt.u32 s8, $0xFFFFF086  }
0x1c: {  	p1 =	slt.u32 s9, $0xF7A;
	s5 =	simm.s32 @!p2 $0x0  }
0x1d: {  	s5 =	simm.s32 @p1 $0x1;
	p0 =	seq.s32 s7, s2  }
0x1e: {  	s7 =	smul.u32 @!p0 $0xF7A, s2;
	p2 =	seq.s32 @!p0 s5, $0x0  }
0x1f: {  	s9 =	smul.u32 $0xF7A, s1;
	s8 =	simm.s32 @!p0 $0x1BF5;
	p2 =	por !p2, p0  }
0x20: {  	[sflag:s8] =	ssyncset.s32 @!p0 $0xFFFFF086;
	s6 =	sadd.s32 @!p0 s3, s7;
	s7 =	simm.s32 @!p0 $0x108  }
0x21: {  	s3 =	sadd.s32 s3, s9;
	s6 =	sadd.s32 @!p0 $0x88, s6;
	s7 =	simm.s32 @p2 $0x1082  }
0x22: {  	[simem:s7], [sflag:s8] =	dma.local @!p0 [hbm:s6], $0xF7A  }
0x23: {  	s9 =	sor.u32 $0xD0000000, s2;
	s6 =	simm.s32 $0x108;
	_ =	swait.ge @!p0 [sflag:s8], $0x0  }
0x24: {  	s3 =	sadd.s32 $0x88, s3;
	s6 =	simm.s32 @!p1 $0x1082;
	[sflag:s4] =	ssyncset.s32 $0xFFFFF086  }
0x25: {  	[simem:s6], [sflag:s4] =	dma.local [hbm:s3], $0xF7A  }
0x26: {  	[smem:$0x3F98] =	sst s1;
	(tag) =	ssettag s2;
	_ =	strace s9  }
0x27: {  	s1 =	sld [smem:$0x3FA8]  }
0x28: {  	s2 =	sld [smem:$0x3FA9]  }
0x29: {  	s4 =	sld [smem:$0x3FAB]  }
0x2a: {  	p0 =	seq.s32 s5, $0x0;
	s5 =	sld [smem:$0x3FAC]  }
0x2b: {  	s6 =	sld [smem:$0x3FAD]  }
0x2c: {  	s7 =	sld [smem:$0x3FAE]  }
0x2d: {  	s3 =	simm.s32 $0x108;
	s8 =	sld [smem:$0x3FAF]  }
0x2e: {  	s3 =	simm.s32 @!p0 $0x1082;
	s9 =	sld [smem:$0x3FB0]  }
0x2f: {  	lr =	sadd.s32 s0, s3;
	s0 =	sld [smem:$0x3FA7]  }
0x30: {  	s3 =	sld [smem:$0x3FAA]  }
0x31: {  	[smem:$0x3FB3] =	sst s10  }
0x32: {  	s10 =	sld [smem:$0x3FB1];
	_ =	sdelay $0x3  }
0x33: {  	p0 =	seq.s32 s10, $0x1;
	s10 =	sld [smem:$0x3FB3];
	_ =	sdelay $0x3  }
0x34: {  	[smem:$0x3FB3] =	sst s10  }
0x35: {  	s10 =	sld [smem:$0x3FB2];
	_ =	sdelay $0x3  }
0x36: {  	p1 =	seq.s32 s10, $0x1;
	s10 =	sld [smem:$0x3FB3];
	_ =	sdelay $0x3  }
0x37: {  	[smem:$0x3FB3] =	sst s10  }
0x38: {  	s10 =	sld [smem:$0x3FB4]  }
0x39: {  	_ = 	snop;
	(pc) =	sbr.ind lr, $3  }
0x3a: {  	_ = 	snop  }
0x3b: {  	_ = 	snop  }
0x3c: {  	p2 =	seq.s32 s10, $0x1;
	s10 =	sld [smem:$0x3FB3]  }
0x3d: {  	_ =	shalt  }
0x3e: {  	_ =	shalt  }
0x3f: {  	_ =	shalt  }
0x40: {  	_ =	shalt  }
0x41: {  	_ =	shalt  }
0x42: {  	_ =	shalt  }
0x43: {  	_ =	shalt  }
0x44: {  	_ =	shalt  }
0x45: {  	_ =	shalt  }
0x46: {  	_ =	shalt  }
0x47: {  	_ =	shalt  }
0x48: {  	_ =	shalt  }
0x49: {  	_ =	shalt  }
0x4a: {  	_ =	shalt  }
0x4b: {  	_ =	shalt  }
0x4c: {  	_ =	shalt  }
0x4d: {  	_ =	shalt  }
0x4e: {  	_ =	shalt  }
0x4f: {  	_ =	shalt  }
0x50: {  	_ =	shalt  }
0x51: {  	_ =	shalt  }
0x52: {  	_ =	shalt  }
0x53: {  	_ =	shalt  }
0x54: {  	_ =	shalt  }
0x55: {  	_ =	shalt  }
0x56: {  	_ =	shalt  }
0x57: {  	_ =	shalt  }
0x58: {  	_ =	shalt  }
0x59: {  	_ =	shalt  }
0x5a: {  	_ =	shalt  }
0x5b: {  	_ =	shalt  }
0x5c: {  	_ =	shalt  }
0x5d: {  	_ =	shalt  }
0x5e: {  	_ =	shalt  }
0x5f: {  	_ =	shalt  }
0x60: {  	_ =	shalt  }
0x61: {  	_ =	shalt  }
0x62: {  	_ =	shalt  }
0x63: {  	_ =	shalt  }
0x64: {  	_ =	shalt  }
0x65: {  	_ =	shalt  }
0x66: {  	_ =	shalt  }
0x67: {  	_ =	shalt  }
0x68: {  	_ =	shalt  }
0x69: {  	_ =	shalt  }
0x6a: {  	_ =	shalt  }
0x6b: {  	_ =	shalt  }
0x6c: {  	_ =	shalt  }
0x6d: {  	_ =	shalt  }
0x6e: {  	_ =	shalt  }
0x6f: {  	_ =	shalt  }
0x70: {  	_ =	shalt  }
0x71: {  	_ =	shalt  }
0x72: {  	_ =	shalt  }
0x73: {  	_ =	shalt  }
0x74: {  	_ =	shalt  }
0x75: {  	_ =	shalt  }
0x76: {  	_ =	shalt  }
0x77: {  	_ =	shalt  }
0x78: {  	_ =	shalt  }
0x79: {  	_ =	shalt  }
0x7a: {  	_ =	shalt  }
0x7b: {  	_ =	shalt  }
0x7c: {  	_ =	shalt  }
0x7d: {  	_ =	shalt  }
0x7e: {  	_ =	shalt  }
0x7f: {  	_ =	shalt  }
0x80: {  	_ =	shalt  }
0x81: {  	_ =	shalt  }
0x82: {  	_ =	shalt  }
0x83: {  	_ =	shalt  }
0x84: {  	_ =	shalt  }
0x85: {  	_ =	shalt  }
0x86: {  	_ =	shalt  }
0x87: {  	_ =	shalt  }
.Lfunc_end0:
.L_simem_size_0:
called_computation_lowered:
.L_overlay_start_0:
0x88: {  	s2 =	sld [smem:$0x3FD9]  }
0x89: {  	s3 =	sld [smem:$0x3FFE];
	_ =	sdelay $0x1  }
0x8a: {  	s1 =	srdreg.scid  }
0x8b: {  	s0 =	sand.u32 $0x1, s1  }
0x8c: {  	s17 =	sshll.u32 s0, $0xA;
	s2 =	sadd.s32 s3, s2  }
0x8d: {  	s2 =	sadd.s32 s2, s17  }
0x8e: {  	[smem:$0x3FBF] =	sst s2  }
0x8f: {  	_ = 	snop  }
0x90: {  	s2 =	sld [smem:$0x3FD0];
	(tm) =	ssettm $0x1  }
0x91: {  	s18 =	sld [smem:$0x3FFB];
	_ =	sdelay $0x3  }
0x92: {  	_ =	strace s18  }
0x93: {  	s3 =	sld [smem:$0x3FFC];
	_ =	sdelay $0x3  }
0x94: {  	_ =	strace s3  }
0x95: {  	s3 =	sld [smem:$0x3FFD];
	_ =	sdelay $0x3  }
0x96: {  	_ =	strace s3  }
0x97: {  	_ =	strace $0x8FFFFFFF  }
0x98: {  	s19 =	sld [smem:$0x3FDB];
	_ =	sdelay $0x1  }
0x99: {  	s4 =	simm.s32 $_scs_section_size  }
0x9a: {  	s5 =	simm.s32 $_size__tile_overlayer_lowered;
	s6 =	simm.s32 $_tile_overlayer_lowered  }
0x9b: {  	s22 =	simm.s32 $0x1BFF;
	s21 =	sshll.u32 s6, $0x1;
	s3 =	sadd.s32 s4, s19  }
0x9c: {  	s7 =	simm.s32 $0x0;
	s20 =	sshll.u32 s5, $0x1;
	s5 =	sadd.s32 s21, s3  }
0x9d: {  	[timem:s7], [sflag:s22] =	dma.local [hbm:s5], s20  }
0x9e: {  	_ =	swait.ge [sflag:s22], s20  }
0x9f: {  	s4 =	ssub.s32 $0x0, s20;
	[sflag:s22] =	ssyncset.done $0x0  }
0xa0: {  	[sflag:s22] =	ssyncadd.s32 s4;
	_ =	sdelay $0x1  }
0xa1: {  	s23 =	simm.s32 $0x1B8B  }
0xa2: {  	_ =	swait.ge [sflag:s23], $0x1  }
0xa3: {  	[sflag:s23] =	ssyncset.done $0x0  }
0xa4: {  	s25 =	simm.s32 $0x1B8E;
	s24 =	sld [smem:$0x3FFE];
	[sflag:s23] =	ssyncadd.s32 $0xFFFFFFFF  }
0xa5: {  	s26 =	simm.s32 $execute0_lowered;
	[smem:$0x3FD2] =	sst s25  }
0xa6: {  	s5 =	sshll.u32 s26, $0x1;
	_ =	strace $0x80000046;
	[dreg:$0x1] =	wrdreg $0xFFFFFFFF  }
0xa7: {  	s28 =	simm.s32 $_size_execute0_lowered;
	s3 =	sadd.s32 s3, s5;
	[dreg:$0x0] =	wrdreg $0x0  }
0xa8: {  	s5 =	sshll.u32 s28, $0x1;
	[dreg:$0x2] =	wrdreg s3  }
0xa9: {  	[dreg:$0x3] =	wrdreg s5  }
0xaa: {  	[dreg:$0x4] =	wrdreg $0xC0  }
0xab: {  	_ =	task [dreg:s7], $0x5FFFF  }
0xac: {  	[dreg:$0x1] =	wrdreg $0xFFFFFFFF  }
0xad: {  	[dreg:$0x0] =	wrdreg $0x60  }
0xae: {  	[dreg:$0x2] =	wrdreg s2  }
0xaf: {  	[dreg:$0x3] =	wrdreg s24  }
0xb0: {  	[dreg:$0x4] =	wrdreg $0xBA000  }
0xb1: {  	[dreg:$0x5] =	wrdreg $0x9  }
0xb2: {  	_ =	task.clear_ibuf [dreg:s7], $0x6FFFF;
	_ =	strace $0x90000046  }
0xb3: {  	s29 =	simm.s32 $0x9;
	_ =	strace $0x80000048  }
0xb4: {  	_ =	swait.ge [sflag:s29], $0x1  }
0xb5: {  	[sflag:s29] =	ssyncadd.s32 $0xFFFFFFFF  }
0xb6: {  	_ =	strace $0x90000048  }
0xb7: {  	_ =	sfence  }
0xb8: {  	s30 =	sld [smem:$0x0];
	_ =	sdelay $0x2  }
0xb9: {  	s31 =	sshll.u32 s1, $0xD;
	s1 =	sshrl.u32 s1, $0x2  }
0xba: {  	s3 =	sand.u32 $0x4000, s31;
	s1 =	sadd.s32 s1, s30  }
0xbb: {  	s0 =	sor.u32 s3, s0;
	s1 =	sshll.u32 s1, $0x11  }
0xbc: {  	s0 =	sor.u32 s1, s0  }
0xbd: {  	s0 =	sadd.s32 $0x8F2B, s0  }
0xbe: {  	[sflag:s0] =	ssyncadd.remote.s32 $0x1  }
0xbf: {  	_ =	sfence.sel $0xFFFF  }
0xc0: {  	[dreg:$0x0] =	wrdreg $0xFFFFFFFF;
	(pc) =	sbr.abs _section_cstart, $3  }
0xc1: {  	[dreg:$0x1] =	wrdreg $0xFFFFFFFF  }
0xc2: {  	_ =	task.clear_ibuf [dreg:s7], $0x2FFFF;
	_ =	strace $0x9FFFFFFF  }
0xc3: {  	(tm) =	ssettm $0x7FFFFFFF  }
tec
execute0_lowered:
.L_overlay_start_1:
0x0: {  	(tag) =	ssettag $0x1  }
0x1: {  	s0 =	rddreg [dreg:$0x0]  }
0x2: {  	s3 =	rddreg [dreg:$0x1]  }
0x3: {  	s1 =	rddreg [dreg:$0x2];
	s2 =	simm.s32 $0x0  }
0x4: {  	s5 =	srdreg.scid;
	s12 =	stileid.u32;
	s14 =	simm.s32 $0x4200  }
0x5: {  	s16 =	simm.s32 $0x7E00;
	s20 =	simm.s32 $0x4;
	s21 =	simm.s32 $0x1  }
0x6: {  	s22 =	simm.s32 $0x2;
	s23 =	simm.s32 $0x3;
	s28 =	simm.s32 $0x280  }
0x7: {  	s29 =	simm.s32 $0x380;
	s30 =	simm.s32 $0x480;
	s31 =	simm.s32 $0x580  }
0x8: {  	[smem:$0x7FF] =	sst s2;
	s4 =	sadd.s32 $0x1200, s3;
	s6 =	sand.u32 $0x1, s5  }
0x9: {  	s5 =	sadd.s32 $0x28400, s3;
	s9 =	smul.u32 $0x4F000, s12;
	s10 =	sshll.u32 s12, $0x6  }
0xa: {  	s26 =	smul.u32 $0x2780, s12;
	_ =	strace $0x80000047;
	s8 =	ssub.s32 $0x2, s6  }
0xb: {  	s7 =	smul.u32 $0x27800, s6;
	s6 =	sshll.u32 s6, $0x4;
	s24 =	sshrl.u32 s8, $0x1  }
0xc: {  	s6 =	sor.u32 s12, s6;
	s9 =	sshrl.u32 s9, $0x2;
	s12 =	simm.s32 $0x600  }
0xd: {  	s3 =	sadd.s32 s7, s3;
	s11 =	smul.u32 $0xA80, s6;
	s8 =	ssub.s32 s8, s24  }
0xe: {  	s9 =	sadd.s32 s9, s1;
	s6 =	sor.u32 $0x1C05, s10;
	s10 =	simm.s32 $0x5  }
0xf: {  	s25 =	sadd.s32 $0x2AC00, s3;
	s8 =	smax.u32 s8, $0x1;
	s9 =	sshrl.u32 s9, $0x3  }
0x10: {  	s7 =	sadd.s32 s0, s11;
	s11 =	simm.s32 $0x78;
	s24 =	sadd.s32 s26, s25  }
0x11: {  	s0 =	simm.s32 $0x0;
	s17 =	sadd.s32 $0x60, s7;
	s18 =	sadd.s32 $0xC0, s7  }
.LBB2_1:
0x12: {  	[spmem:s9], [sflag:s6] =	dma.local [hbm:s5], $0x2780  }
0x13: {  	_ =	swait.ge [sflag:s10], $0x2780  }
0x14: {  	[sflag:s10] =	ssyncset.done $0x0  }
0x15: {  	[sflag:s10] =	ssyncadd.s32 $0xFFFFD880  }
0x16: {  	[bflag:$0x0] =	sbarrier.arrive $0xFFFF  }
0x17: {  	[tilespmem:s2], [sflag:$0x5] =	stream.linear.gather [hbm4b:s7+s2], $0x300, $0x38;
	[tilespmem:$0x1F600] =	vst v63  }
0x18: {  	_ =	swait.ge [sflag:s10], $0x300  }
0x19: {  	[sflag:s10] =	ssyncset.done $0x0  }
0x1a: {  	[sflag:s10] =	ssyncadd.s32 $0xFFFFFD00  }
0x1b: {  	[tilespmem:s12], [sflag:$0x1] =	stream.indirect.gather [hbm4b:s4+s11], $0x80, s2, s11, $0xb8;
	[tilespmem:$0x1F600] =	vst v63  }
0x1c: {  	s3 =	simm.s32 $0x100  }
0x1d: {  	[tilespmem:s14], [sflag:$0x2] =	stream.indirect.gather [hbm4b:s4+s11], $0x80, s3, s11, $0xb8;
	[tilespmem:$0x1F600] =	vst v63  }
0x1e: {  	s15 =	simm.s32 $0x200  }
0x1f: {  	[tilespmem:s16], [sflag:$0x3] =	stream.indirect.gather [hbm4b:s4+s11], $0x80, s15, s11, $0xb8;
	[tilespmem:$0x1F600] =	vst v63  }
0x20: {  	s19 =	simm.s32 $0x300  }
0x21: {  	[tilespmem:s19], [sflag:$0x4] =	stream.linear.gather [hbm4b:s17+s2], $0x300, $0x38;
	[tilespmem:$0x1F600] =	vst v63  }
0x22: {  	_ =	swait.ge [sflag:s20], $0x300  }
0x23: {  	s13 =	simm.s32 $0x0;
	[sflag:s20] =	ssyncset.done $0x0  }
0x24: {  	s25 =	sand.u32 $0x1, s13;
	[sflag:s20] =	ssyncadd.s32 $0xFFFFFD00  }
0x25: {  	p0 =	seq.s32 s25, $0x1;
	s3 =	simm.s32 $0x300;
	_ =	swait.ge [sflag:s21], $0x3C00  }
0x26: {  	s3 =	simm.s32 @!p0 $0x0;
	[sflag:s21] =	ssyncset.done $0x0  }
0x27: {  	s15 =	simm.s32 $0xFFFFFFFF;
	s19 =	sor.u32 $0x80, s3;
	[sflag:s21] =	ssyncadd.s32 $0xFFFFC400  }
0x28: {  	[spmem:s1] =	stream.indirect.scatter.add.f32 [tilespmem:s12], [sflag:$0x5], $0x80, s19, s11, $0xb8;
	[tilespmem:$0x1F600] =	vst v63  }
0x29: {  	s15 =	sand.u32 $0x1, s15;
	_ =	swait.ge [sflag:s10], $0x3C00  }
0x2a: {  	p0 =	seq.s32 s15, $0x1;
	s15 =	simm.s32 $0x300;
	[sflag:s10] =	ssyncset.done $0x0  }
0x2b: {  	s15 =	simm.s32 @!p0 $0x0;
	[sflag:s10] =	ssyncadd.s32 $0xFFFFC400  }
0x2c: {  	[tilespmem:s12], [sflag:$0x1] =	stream.indirect.gather [hbm4b:s4+s11], $0x80, s15, s11, $0xb8;
	[tilespmem:$0x1F600] =	vst v63  }
0x2d: {  	_ =	swait.ge [sflag:s22], $0x3C00  }
0x2e: {  	[sflag:s22] =	ssyncset.done $0x0  }
0x2f: {  	s26 =	sadd.s32 $0x180, s3;
	[sflag:s22] =	ssyncadd.s32 $0xFFFFC400  }
0x30: {  	[spmem:s1] =	stream.indirect.scatter.add.f32 [tilespmem:s14], [sflag:$0x5], $0x80, s26, s11, $0xb8;
	[tilespmem:$0x1F600] =	vst v63  }
0x31: {  	_ =	swait.ge [sflag:s10], $0x3C00  }
0x32: {  	[sflag:s10] =	ssyncset.done $0x0  }
0x33: {  	s25 =	sadd.s32 $0x100, s15;
	[sflag:s10] =	ssyncadd.s32 $0xFFFFC400  }
0x34: {  	[tilespmem:s14], [sflag:$0x2] =	stream.indirect.gather [hbm4b:s4+s11], $0x80, s25, s11, $0xb8;
	[tilespmem:$0x1F600] =	vst v63  }
0x35: {  	_ =	swait.ge [sflag:s23], $0x3C00  }
0x36: {  	[sflag:s23] =	ssyncset.done $0x0  }
0x37: {  	s26 =	sadd.s32 $0x280, s3;
	[sflag:s23] =	ssyncadd.s32 $0xFFFFC400  }
0x38: {  	[spmem:s1] =	stream.indirect.scatter.add.f32 [tilespmem:s16], [sflag:$0x5], $0x80, s26, s11, $0xb8;
	[tilespmem:$0x1F600] =	vst v63  }
0x39: {  	_ =	swait.ge [sflag:s10], $0x3C00  }
0x3a: {  	[sflag:s10] =	ssyncset.done $0x0  }
0x3b: {  	s15 =	sadd.s32 $0x200, s15;
	[sflag:s10] =	ssyncadd.s32 $0xFFFFC400  }
0x3c: {  	[tilespmem:s16], [sflag:$0x3] =	stream.indirect.gather [hbm4b:s4+s11], $0x80, s15, s11, $0xb8;
	[tilespmem:$0x1F600] =	vst v63  }
0x3d: {  	s19 =	smov.u32 s18;
	s15 =	sadd.s32 $0x60, s18  }
.LBB2_2:
0x3e: {  	[tilespmem:s3], [sflag:$0x4] =	stream.linear.gather [hbm4b:s19+s2], $0x300, $0x38;
	[tilespmem:$0x1F600] =	vst v63  }
0x3f: {  	s25 =	smov.u32 s13;
	s13 =	sadd.s32 $0x1, s13;
	_ =	swait.ge [sflag:s20], $0x300  }
0x40: {  	s3 =	sand.u32 $0x1, s13;
	p0 =	sne.s32 s13, $0x19;
	[sflag:s20] =	ssyncset.done $0x0  }
0x41: {  	s19 =	smov.u32 s15;
	p1 =	seq.s32 s3, $0x1;
	[sflag:s20] =	ssyncadd.s32 $0xFFFFFD00  }
0x42: {  	s3 =	simm.s32 $0x300;
	_ =	swait.ge [sflag:s21], $0x3C00  }
0x43: {  	s3 =	simm.s32 @!p1 $0x0;
	[sflag:s21] =	ssyncset.done $0x0  }
0x44: {  	s26 =	sor.u32 $0x80, s3;
	[sflag:s21] =	ssyncadd.s32 $0xFFFFC400  }
0x45: {  	[spmem:s1] =	stream.indirect.scatter.add.f32 [tilespmem:s12], [sflag:$0x5], $0x80, s26, s11, $0xb8;
	[tilespmem:$0x1F600] =	vst v63  }
0x46: {  	s25 =	sand.u32 $0x1, s25;
	_ =	swait.ge [sflag:s10], $0x3C00  }
0x47: {  	p1 =	seq.s32 s25, $0x1;
	s25 =	simm.s32 $0x300;
	[sflag:s10] =	ssyncset.done $0x0  }
0x48: {  	s25 =	simm.s32 @!p1 $0x0;
	[sflag:s10] =	ssyncadd.s32 $0xFFFFC400  }
0x49: {  	[tilespmem:s12], [sflag:$0x1] =	stream.indirect.gather [hbm4b:s4+s11], $0x80, s25, s11, $0xb8;
	[tilespmem:$0x1F600] =	vst v63  }
0x4a: {  	_ =	swait.ge [sflag:s22], $0x3C00  }
0x4b: {  	[sflag:s22] =	ssyncset.done $0x0  }
0x4c: {  	s26 =	sadd.s32 $0x180, s3;
	[sflag:s22] =	ssyncadd.s32 $0xFFFFC400  }
0x4d: {  	[spmem:s1] =	stream.indirect.scatter.add.f32 [tilespmem:s14], [sflag:$0x5], $0x80, s26, s11, $0xb8;
	[tilespmem:$0x1F600] =	vst v63  }
0x4e: {  	_ =	swait.ge [sflag:s10], $0x3C00  }
0x4f: {  	[sflag:s10] =	ssyncset.done $0x0  }
0x50: {  	s26 =	sadd.s32 $0x100, s25;
	[sflag:s10] =	ssyncadd.s32 $0xFFFFC400  }
0x51: {  	[tilespmem:s14], [sflag:$0x2] =	stream.indirect.gather [hbm4b:s4+s11], $0x80, s26, s11, $0xb8;
	[tilespmem:$0x1F600] =	vst v63  }
0x52: {  	_ =	swait.ge [sflag:s23], $0x3C00  }
0x53: {  	[sflag:s23] =	ssyncset.done $0x0  }
0x54: {  	s26 =	sadd.s32 $0x280, s3;
	[sflag:s23] =	ssyncadd.s32 $0xFFFFC400  }
0x55: {  	[spmem:s1] =	stream.indirect.scatter.add.f32 [tilespmem:s16], [sflag:$0x5], $0x80, s26, s11, $0xb8;
	[tilespmem:$0x1F600] =	vst v63  }
.Ltmp0:
0x56: {  	_ =	swait.ge [sflag:s10], $0x3C00;
	(pc) =	sbr.rel @p0 .LBB2_2-.Ltmp0, $4  }
0x57: {  	[sflag:s10] =	ssyncset.done $0x0  }
0x58: {  	s25 =	sadd.s32 $0x200, s25;
	[sflag:s10] =	ssyncadd.s32 $0xFFFFC400  }
0x59: {  	[tilespmem:s16], [sflag:$0x3] =	stream.indirect.gather [hbm4b:s4+s11], $0x80, s25, s11, $0xb8;
	[tilespmem:$0x1F600] =	vst v63  }
0x5a: {  	s15 =	sadd.s32 $0x60, s15  }
0x5b: {  	[tilespmem:s3], [sflag:$0x4] =	stream.linear.gather [hbm4b:s19+s2], $0x300, $0x38;
	[tilespmem:$0x1F600] =	vst v63  }
0x5c: {  	_ =	swait.ge [sflag:s20], $0x300  }
0x5d: {  	[sflag:s20] =	ssyncset.done $0x0  }
0x5e: {  	[sflag:s20] =	ssyncadd.s32 $0xFFFFFD00  }
0x5f: {  	_ =	swait.ge [sflag:s21], $0x3C00  }
0x60: {  	[sflag:s21] =	ssyncset.done $0x0  }
0x61: {  	s13 =	simm.s32 $0x80;
	[sflag:s21] =	ssyncadd.s32 $0xFFFFC400  }
0x62: {  	[spmem:s1] =	stream.indirect.scatter.add.f32 [tilespmem:s12], [sflag:$0x5], $0x80, s13, s11, $0xb8;
	[tilespmem:$0x1F600] =	vst v63  }
0x63: {  	_ =	swait.ge [sflag:s10], $0x3C00  }
0x64: {  	[sflag:s10] =	ssyncset.done $0x0  }
0x65: {  	[sflag:s10] =	ssyncadd.s32 $0xFFFFC400  }
0x66: {  	[tilespmem:s12], [sflag:$0x1] =	stream.indirect.gather [hbm4b:s4+s11], $0x80, s3, s11, $0xb8;
	[tilespmem:$0x1F600] =	vst v63  }
0x67: {  	_ =	swait.ge [sflag:s22], $0x3C00  }
0x68: {  	[sflag:s22] =	ssyncset.done $0x0  }
0x69: {  	s19 =	simm.s32 $0x180;
	[sflag:s22] =	ssyncadd.s32 $0xFFFFC400  }
0x6a: {  	[spmem:s1] =	stream.indirect.scatter.add.f32 [tilespmem:s14], [sflag:$0x5], $0x80, s19, s11, $0xb8;
	[tilespmem:$0x1F600] =	vst v63  }
0x6b: {  	_ =	swait.ge [sflag:s10], $0x3C00  }
0x6c: {  	[sflag:s10] =	ssyncset.done $0x0  }
0x6d: {  	s25 =	sadd.s32 $0x100, s3;
	[sflag:s10] =	ssyncadd.s32 $0xFFFFC400  }
0x6e: {  	[tilespmem:s14], [sflag:$0x2] =	stream.indirect.gather [hbm4b:s4+s11], $0x80, s25, s11, $0xb8;
	[tilespmem:$0x1F600] =	vst v63  }
0x6f: {  	_ =	swait.ge [sflag:s23], $0x3C00  }
0x70: {  	[sflag:s23] =	ssyncset.done $0x0  }
0x71: {  	[sflag:s23] =	ssyncadd.s32 $0xFFFFC400  }
0x72: {  	[spmem:s1] =	stream.indirect.scatter.add.f32 [tilespmem:s16], [sflag:$0x5], $0x80, s28, s11, $0xb8;
	[tilespmem:$0x1F600] =	vst v63  }
0x73: {  	_ =	swait.ge [sflag:s10], $0x3C00  }
0x74: {  	[sflag:s10] =	ssyncset.done $0x0  }
0x75: {  	s26 =	sadd.s32 $0x200, s3;
	[sflag:s10] =	ssyncadd.s32 $0xFFFFC400  }
0x76: {  	[tilespmem:s16], [sflag:$0x3] =	stream.indirect.gather [hbm4b:s4+s11], $0x80, s26, s11, $0xb8;
	[tilespmem:$0x1F600] =	vst v63  }
0x77: {  	_ =	swait.ge [sflag:s21], $0x3C00  }
0x78: {  	[sflag:s21] =	ssyncset.done $0x0  }
0x79: {  	[sflag:s21] =	ssyncadd.s32 $0xFFFFC400  }
0x7a: {  	[spmem:s1] =	stream.indirect.scatter.add.f32 [tilespmem:s12], [sflag:$0x5], $0x80, s29, s11, $0xb8;
	[tilespmem:$0x1F600] =	vst v63  }
0x7b: {  	_ =	swait.ge [sflag:s10], $0x3C00  }
0x7c: {  	[sflag:s10] =	ssyncset.done $0x0  }
0x7d: {  	[sflag:s10] =	ssyncadd.s32 $0xFFFFC400  }
0x7e: {  	_ =	swait.ge [sflag:s22], $0x3C00  }
0x7f: {  	[sflag:s22] =	ssyncset.done $0x0  }
0x80: {  	[sflag:s22] =	ssyncadd.s32 $0xFFFFC400  }
0x81: {  	[spmem:s1] =	stream.indirect.scatter.add.f32 [tilespmem:s14], [sflag:$0x5], $0x80, s30, s11, $0xb8;
	[tilespmem:$0x1F600] =	vst v63  }
0x82: {  	_ =	swait.ge [sflag:s10], $0x3C00  }
0x83: {  	[sflag:s10] =	ssyncset.done $0x0  }
0x84: {  	[sflag:s10] =	ssyncadd.s32 $0xFFFFC400  }
0x85: {  	_ =	swait.ge [sflag:s23], $0x3C00  }
0x86: {  	[sflag:s23] =	ssyncset.done $0x0  }
0x87: {  	[sflag:s23] =	ssyncadd.s32 $0xFFFFC400  }
0x88: {  	[spmem:s1] =	stream.indirect.scatter.add.f32 [tilespmem:s16], [sflag:$0x5], $0x80, s31, s11, $0xb8;
	[tilespmem:$0x1F600] =	vst v63  }
0x89: {  	_ =	swait.ge [sflag:s10], $0x3C00  }
0x8a: {  	s0 =	sadd.s32 $0x1, s0;
	[sflag:s10] =	ssyncset.done $0x0  }
0x8b: {  	p0 =	sne.s32 s0, s8;
	[sflag:s10] =	ssyncadd.s32 $0xFFFFC400  }
.Ltmp1:
0x8c: {  	[bflag:$0x0] =	sbarrier.arrive $0xFFFF;
	(pc) =	sbr.rel @p0 .LBB2_1-.Ltmp1, $4  }
0x8d: {  	[hbm:s24], [sflag:s6] =	dma.local [spmem:s9], $0x2780  }
0x8e: {  	_ =	swait.ge [sflag:s10], $0x2780  }
0x8f: {  	[sflag:s10] =	ssyncset.done $0x0  }
0x90: {  	[sflag:s10] =	ssyncadd.s32 $0xFFFFD880  }
0x91: {  	_ =	sfence.sel $0x180000  }
0x92: {  	[bflag:$0x0] =	sbarrier.arrive $0xFFFF  }
0x93: {  	_ =	strace $0x90000047  }
0x94: {  	s0 =	stileid.u32;
	[bflag:$0x2] =	sbarrier.arrive $0xFFFF  }
0x95: {  	p0 =	sne.s32 s0, $0x0;
	s0 =	rddreg [dreg:$0x3]  }
0x96: {  	s0 =	sadd.s32 @!p0 $0x100000, s0  }
0x97: {  	[sflag:s0] =	ssyncadd.tile.s32 @!p0 $0x1;
	_ =	shalt  }
.Lfunc_end2:
_tile_overlayer_lowered:
.L_overlay_start_2:
0x98: {  	(tag) =	ssettag $0x2  }
0x99: {  	s0 =	rddreg [dreg:$0x0];
	s2 =	stileid.u32  }
0x9a: {  	s1 =	rddreg [dreg:$0x1];
	p0 =	sne.s32 s2, $0x0  }
0x9b: {  	s3 =	rddreg [dreg:$0x2];
	[bflag:$0x3] =	sbarrier.arrive $0xFFFF;
	s2 =	simm.s32 @!p0 $0x1C05  }
0x9c: {  	[timem:s3], [sflag:s2] =	dma.local @!p0 [hbm:s0], s1  }
0x9d: {  	s0 =	simm.s32 @!p0 $0x5  }
0x9e: {  	_ =	swait.ge @!p0 [sflag:s0], s1  }
0x9f: {  	s1 =	ssub.s32 @!p0 $0x0, s1;
	[sflag:s0] =	ssyncset.done @!p0 $0x0  }
0xa0: {  	[sflag:s0] =	ssyncadd.s32 @!p0 s1  }
0xa1: {  	[bflag:$0x3] =	sbarrier.arrive $0xFFFF  }
0xa2: {  	_ =	shalt  }

</sc_bundles>
